<compile_context>
chip_gen: v7x
topology: tpu7x:2x2x1
jax: 0.10.2.dev20260603
libtpu: 0.0.44.dev20260713+nightly
codegen_flags: <defaults>
</compile_context>

<pallas_src>
import functools

import jax
import jax.numpy as jnp
from jax import lax
from jax.experimental import pallas as pl
from jax.experimental.pallas import tpu as pltpu
from jax.experimental.pallas import tpu_sc as plsc

N = 10000
E = 320000
D = 128

NC = 2
NS = 16
NW = NC * NS
CH = 128
CPW = -(-E // (NW * CH))
EPW = CPW * CH
EPAD = NW * EPW
NPAD = 10240
RPT = NPAD // NS
DUMP = N

_mesh = plsc.VectorSubcoreMesh(core_axis_name="c", subcore_axis_name="s")



@functools.partial(
    pl.kernel,
    out_type=jax.ShapeDtypeStruct((NC, NPAD, D), jnp.float32),
    mesh=_mesh,
    scratch_types=[
        pltpu.VMEM((CPW, CH), jnp.int32),
        pltpu.VMEM((CH, D), jnp.float32),
        pltpu.VMEM_SHARED((NPAD, D), jnp.float32),
    ],
)
def _sc_degree(dst_hbm, ones_hbm, zeros_hbm, out_hbm, idx_v, ones_v, acc):
    cid = lax.axis_index("c")
    sid = lax.axis_index("s")
    wid = cid * NS + sid
    base = sid * RPT
    pltpu.sync_copy(zeros_hbm.at[pl.ds(base, RPT)], acc.at[pl.ds(base, RPT)])
    pltpu.sync_copy(ones_hbm, ones_v)
    pltpu.sync_copy(dst_hbm.at[wid], idx_v)
    plsc.subcore_barrier()

    def body(j, carry):
        pltpu.sync_copy(ones_v, acc.at[idx_v.at[j]], add=True)
        return carry

    lax.fori_loop(0, CPW, body, 0)
    plsc.subcore_barrier()
    pltpu.sync_copy(acc.at[pl.ds(base, RPT)], out_hbm.at[cid, pl.ds(base, RPT)])


@functools.partial(
    pl.kernel,
    out_type=jax.ShapeDtypeStruct((NC, NPAD, D), jnp.float32),
    mesh=_mesh,
    scratch_types=[
        pltpu.VMEM((CPW, CH), jnp.int32),
        pltpu.VMEM((CPW, CH), jnp.int32),
        pltpu.VMEM((CH, D), jnp.float32),
        pltpu.VMEM_SHARED((NPAD, D), jnp.float32),
    ],
)
def _sc_aggregate(g_hbm, src_hbm, dst_hbm, out_hbm, idx_s, idx_d, rows, acc):
    cid = lax.axis_index("c")
    sid = lax.axis_index("s")
    wid = cid * NS + sid
    base = sid * RPT
    pltpu.sync_copy(g_hbm.at[pl.ds(base, RPT)], acc.at[pl.ds(base, RPT)])
    pltpu.sync_copy(src_hbm.at[wid], idx_s)
    pltpu.sync_copy(dst_hbm.at[wid], idx_d)
    plsc.subcore_barrier()

    def body(j, carry):
        pltpu.sync_copy(g_hbm.at[idx_s.at[j]], rows)
        pltpu.sync_copy(rows, acc.at[idx_d.at[j]], add=True)
        return carry

    lax.fori_loop(0, CPW, body, 0)
    plsc.subcore_barrier()
    pltpu.sync_copy(acc.at[pl.ds(base, RPT)], out_hbm.at[cid, pl.ds(base, RPT)])



_BR = 2048


def _prep_body(x_ref, ws_ref, dp_ref, g_ref, dinv_ref):
    W = ws_ref[0]
    for i in range(1, 7):
        W = W + ws_ref[i]
    h = jnp.dot(x_ref[...], W, preferred_element_type=jnp.float32)
    deg = dp_ref[0, :, 0:1] + dp_ref[1, :, 0:1] + 1.0
    dinv = lax.rsqrt(deg)
    g_ref[...] = h * dinv
    dinv_ref[...] = dinv


def _mid_body(p_ref, g_ref, dinv_ref, bs_ref, w8_ref, g2_ref):
    bsum = jnp.sum(bs_ref[...], axis=0, keepdims=True)
    dinv = dinv_ref[...]
    s = p_ref[0] + p_ref[1] - g_ref[...]
    x = jnp.maximum(dinv * s + bsum, 0.0)
    h2 = jnp.dot(x, w8_ref[...], preferred_element_type=jnp.float32)
    g2_ref[...] = h2 * dinv


def _final_body(p_ref, g2_ref, dinv_ref, b8_ref, out_ref):
    s = p_ref[0] + p_ref[1] - g2_ref[...]
    out_ref[...] = dinv_ref[...] * s + b8_ref[...]


def _row_spec(width):
    return pl.BlockSpec((_BR, width), lambda i: (i, 0))


def _part_spec(width):
    return pl.BlockSpec((NC, _BR, width), lambda i: (0, i, 0))


def _full_spec(shape):
    nd = len(shape)
    return pl.BlockSpec(shape, lambda i, _nd=nd: (0,) * _nd)


def kernel(inputs, adj, W1, b1, W2, b2, W3, b3, W4, b4, W5, b5, W6, b6, W7, b7, W8, b8):
    f32 = jnp.float32
    grid = NPAD // _BR

    src = jnp.concatenate([adj[0], jnp.zeros((EPAD - E,), jnp.int32)])
    dst = jnp.concatenate([adj[1], jnp.full((EPAD - E,), DUMP, jnp.int32)])
    src = src.reshape(NW, CPW, CH)
    dst = dst.reshape(NW, CPW, CH)
    xpad = jnp.pad(inputs, ((0, NPAD - N), (0, 0)))
    ws = jnp.stack([W1, W2, W3, W4, W5, W6, W7])
    bs = jnp.stack([b1, b2, b3, b4, b5, b6, b7])
    b8r = b8.reshape(1, D)
    ones_rows = jnp.ones((CH, D), f32)
    zeros_rows = jnp.zeros((NPAD, D), f32)

    degp = _sc_degree(dst, ones_rows, zeros_rows)

    g1, dinv = pl.pallas_call(
        _prep_body,
        grid=(grid,),
        in_specs=[_row_spec(D), _full_spec((7, D, D)), _part_spec(D)],
        out_specs=[_row_spec(D), _row_spec(1)],
        out_shape=[
            jax.ShapeDtypeStruct((NPAD, D), f32),
            jax.ShapeDtypeStruct((NPAD, 1), f32),
        ],
    )(xpad, ws, degp)

    p1 = _sc_aggregate(g1, src, dst)

    g2 = pl.pallas_call(
        _mid_body,
        grid=(grid,),
        in_specs=[_part_spec(D), _row_spec(D), _row_spec(1),
                  _full_spec((7, D)), _full_spec((D, D))],
        out_specs=_row_spec(D),
        out_shape=jax.ShapeDtypeStruct((NPAD, D), f32),
    )(p1, g1, dinv, bs, W8)

    p2 = _sc_aggregate(g2, src, dst)

    out = pl.pallas_call(
        _final_body,
        grid=(grid,),
        in_specs=[_part_spec(D), _row_spec(D), _row_spec(1), _full_spec((1, D))],
        out_specs=_row_spec(D),
        out_shape=jax.ShapeDtypeStruct((NPAD, D), f32),
    )(p2, g2, dinv, b8r)

    return out[:N]

# --- scband reference (transcript-rebuilt; emitter-appended) ---
"""Pipeline reference for scband-gcn-88742614270553 (READ-ONLY COPY).

The authoritative reference and input builder live on the scoring server;
editing this copy changes nothing except your own understanding.
"""

import jax, jax.numpy as jnp
import numpy as np

N = 10000
E = 320000
D = 128
H = 128
O = 128


def setup_inputs(seed: int = 0) -> dict:
    key = jax.random.key(seed)
    ks = jax.random.split(key, 20)
    inp = {}
    inp["inputs"] = jax.random.normal(ks[0], (N, D), dtype=jnp.float32)
    inp["adj"] = jax.random.randint(ks[1], (2, E), 0, N, dtype=jnp.int32)
    for i in range(1, 8):
        inp[f"W{i}"] = jax.random.normal(ks[1 + i], (D, H), dtype=jnp.float32) * 0.05
        inp[f"b{i}"] = jnp.zeros((H,), dtype=jnp.float32)
    inp["W8"] = jax.random.normal(ks[9], (H, O), dtype=jnp.float32) * 0.05
    inp["b8"] = jnp.zeros((O,), dtype=jnp.float32)
    return inp


def gcn_conv(x, edge_index, W, b):
    n = x.shape[0]
    loop = jnp.arange(n, dtype=edge_index.dtype)
    src = jnp.concatenate([edge_index[0], loop])
    dst = jnp.concatenate([edge_index[1], loop])
    deg = jax.ops.segment_sum(jnp.ones_like(src, dtype=x.dtype), dst, num_segments=n)
    dinv = jnp.where(deg > 0, deg ** -0.5, 0.0)
    norm = dinv[src] * dinv[dst]
    h = x @ W
    msg = h[src] * norm[:, None]
    out = jax.ops.segment_sum(msg, dst, num_segments=n)
    return out + b


def reference(inputs, adj, W1, b1, W2, b2, W3, b3, W4, b4, W5, b5, W6, b6, W7, b7, W8, b8):
    # dropout p=0.0 -> identity
    x1 = gcn_conv(inputs, adj, W1, b1)
    x2 = gcn_conv(inputs, adj, W2, b2)
    x3 = gcn_conv(inputs, adj, W3, b3)
    x4 = gcn_conv(inputs, adj, W4, b4)
    x5 = gcn_conv(inputs, adj, W5, b5)
    x6 = gcn_conv(inputs, adj, W6, b6)
    x7 = gcn_conv(inputs, adj, W7, b7)
    x = x1 + x2 + x3 + x4 + x5 + x6 + x7
    x = jax.nn.relu(x)
    return gcn_conv(x, adj, W8, b8)

if __name__ == "__main__":
    import jax
    _d = setup_inputs()
    print(jax.jit(kernel)(*tuple(_d.values())))

</pallas_src>

<mosaic_0001>
#map = affine_map<(d0, d1) -> (0, 0, 0)>
#map1 = affine_map<(d0, d1) -> (0, 0)>
module attributes {stable_mosaic.version = 14 : i64} {
  func.func @_sc_degree(%arg0: i32, %arg1: i32, %arg2: memref<32x79x128xi32, #tpu.memory_space<hbm>>, %arg3: memref<128x128xf32, #tpu.memory_space<hbm>>, %arg4: memref<10240x128xf32, #tpu.memory_space<hbm>>, %arg5: memref<2x10240x128xf32, #tpu.memory_space<hbm>>, %arg6: memref<79x128xi32, #tpu.memory_space<vmem>>, %arg7: memref<128x128xf32, #tpu.memory_space<vmem>>, %arg8: memref<10240x128xf32, #tpu.memory_space<vmem_shared>>) attributes {dimension_semantics = [#tpu.dimension_semantics<core_parallel>, #tpu.dimension_semantics<subcore_parallel>], iteration_bounds = array<i64: 2, 16>, scalar_prefetch = 0 : i64, scratch_operands = 3 : i64, tpu.core_type = #tpu.core_type<sc_vector_subcore>, window_params = [{transform_indices = #map}, {transform_indices = #map1}, {transform_indices = #map1}, {transform_indices = #map}]} {
    %mul3A = arith.constant 16 : i32
    %mul3A_0 = arith.muli %arg0, %mul3A : i32
    %add3A = arith.addi %mul3A_0, %arg1 : i32
    %mul3A_1 = arith.constant 640 : i32
    %mul3A_2 = arith.muli %arg1, %mul3A_1 : i32
    "tpu.region"() ({
      %run_scoped3A = tpu.sem_alloc : memref<!tpu.dma_semaphore, #tpu.memory_space<semaphore_mem>>
      %dma_start3A = arith.constant 0 : i32
      %dma_start3A_9 = tpu.memref_slice %arg8[%mul3A_2, %dma_start3A] : memref<10240x128xf32, #tpu.memory_space<vmem_shared>> -> memref<640x128xf32, #tpu.memory_space<vmem_shared>>
      %dma_start3A_10 = arith.constant 0 : i32
      %dma_start3A_11 = tpu.memref_slice %arg4[%mul3A_2, %dma_start3A_10] : memref<10240x128xf32, #tpu.memory_space<hbm>> -> memref<640x128xf32, #tpu.memory_space<hbm>>
      tpu.enqueue_dma source(%dma_start3A_11 : memref<640x128xf32, #tpu.memory_space<hbm>>) target(%dma_start3A_9 : memref<640x128xf32, #tpu.memory_space<vmem_shared>>) target_semaphore(%run_scoped3A : memref<!tpu.dma_semaphore, #tpu.memory_space<semaphore_mem>>)
      %dma_wait3A = arith.constant 0 : i32
      %dma_wait3A_12 = tpu.memref_slice %arg8[%mul3A_2, %dma_wait3A] : memref<10240x128xf32, #tpu.memory_space<vmem_shared>> -> memref<640x128xf32, #tpu.memory_space<vmem_shared>>
      %dma_wait3A_13 = arith.constant 0 : i32
      %dma_wait3A_14 = tpu.memref_slice %arg4[%mul3A_2, %dma_wait3A_13] : memref<10240x128xf32, #tpu.memory_space<hbm>> -> memref<640x128xf32, #tpu.memory_space<hbm>>
      tpu.wait_dma2 semaphore(%run_scoped3A : memref<!tpu.dma_semaphore, #tpu.memory_space<semaphore_mem>>) src(%dma_wait3A_14 : memref<640x128xf32, #tpu.memory_space<hbm>>) dst(%dma_wait3A_12 : memref<640x128xf32, #tpu.memory_space<vmem_shared>>)
      tpu.yield
    }) : () -> ()
    "tpu.region"() ({
      %run_scoped3A = tpu.sem_alloc : memref<!tpu.dma_semaphore, #tpu.memory_space<semaphore_mem>>
      tpu.enqueue_dma source(%arg3 : memref<128x128xf32, #tpu.memory_space<hbm>>) target(%arg7 : memref<128x128xf32, #tpu.memory_space<vmem>>) target_semaphore(%run_scoped3A : memref<!tpu.dma_semaphore, #tpu.memory_space<semaphore_mem>>)
      tpu.wait_dma2 semaphore(%run_scoped3A : memref<!tpu.dma_semaphore, #tpu.memory_space<semaphore_mem>>) src(%arg3 : memref<128x128xf32, #tpu.memory_space<hbm>>) dst(%arg7 : memref<128x128xf32, #tpu.memory_space<vmem>>)
      tpu.yield
    }) : () -> ()
    "tpu.region"() ({
      %run_scoped3A = tpu.sem_alloc : memref<!tpu.dma_semaphore, #tpu.memory_space<semaphore_mem>>
      %dma_start3A = arith.constant 0 : i32
      %dma_start3A_9 = arith.constant 0 : i32
      %dma_start3A_10 = tpu.memref_slice %arg2[%add3A, %dma_start3A, %dma_start3A_9] : memref<32x79x128xi32, #tpu.memory_space<hbm>> -> memref<1x79x128xi32, #tpu.memory_space<hbm>>
      %dma_start3A_11 = tpu.memref_squeeze %dma_start3A_10 : memref<1x79x128xi32, #tpu.memory_space<hbm>> -> memref<79x128xi32, #tpu.memory_space<hbm>>
      %dma_start3A_12 = arith.constant 0 : i32
      %dma_start3A_13 = arith.constant 0 : i32
      %dma_start3A_14 = tpu.memref_slice %arg2[%add3A, %dma_start3A_12, %dma_start3A_13] : memref<32x79x128xi32, #tpu.memory_space<hbm>> -> memref<1x79x128xi32, #tpu.memory_space<hbm>>
      %dma_start3A_15 = tpu.memref_squeeze %dma_start3A_14 : memref<1x79x128xi32, #tpu.memory_space<hbm>> -> memref<79x128xi32, #tpu.memory_space<hbm>>
      tpu.enqueue_dma source(%dma_start3A_15 : memref<79x128xi32, #tpu.memory_space<hbm>>) target(%arg6 : memref<79x128xi32, #tpu.memory_space<vmem>>) target_semaphore(%run_scoped3A : memref<!tpu.dma_semaphore, #tpu.memory_space<semaphore_mem>>)
      %dma_wait3A = arith.constant 0 : i32
      %dma_wait3A_16 = arith.constant 0 : i32
      %dma_wait3A_17 = tpu.memref_slice %arg2[%add3A, %dma_wait3A, %dma_wait3A_16] : memref<32x79x128xi32, #tpu.memory_space<hbm>> -> memref<1x79x128xi32, #tpu.memory_space<hbm>>
      %dma_wait3A_18 = tpu.memref_squeeze %dma_wait3A_17 : memref<1x79x128xi32, #tpu.memory_space<hbm>> -> memref<79x128xi32, #tpu.memory_space<hbm>>
      %dma_wait3A_19 = arith.constant 0 : i32
      %dma_wait3A_20 = arith.constant 0 : i32
      %dma_wait3A_21 = tpu.memref_slice %arg2[%add3A, %dma_wait3A_19, %dma_wait3A_20] : memref<32x79x128xi32, #tpu.memory_space<hbm>> -> memref<1x79x128xi32, #tpu.memory_space<hbm>>
      %dma_wait3A_22 = tpu.memref_squeeze %dma_wait3A_21 : memref<1x79x128xi32, #tpu.memory_space<hbm>> -> memref<79x128xi32, #tpu.memory_space<hbm>>
      tpu.wait_dma2 semaphore(%run_scoped3A : memref<!tpu.dma_semaphore, #tpu.memory_space<semaphore_mem>>) src(%dma_wait3A_22 : memref<79x128xi32, #tpu.memory_space<hbm>>) dst(%arg6 : memref<79x128xi32, #tpu.memory_space<vmem>>)
      tpu.yield
    }) : () -> ()
    %barrier3A = arith.constant 0 : index
    tpu.barrier barrier_id(%barrier3A)
    %scan3A = arith.constant 0 : i32
    %scan3A_3 = arith.constant 0 : i32
    %scan3A_4 = arith.constant 79 : i32
    %scan3A_5 = arith.addi %scan3A_3, %scan3A_4 : i32
    %scan3A_6 = arith.constant 1 : i32
    scf.for %scan3A_9 = %scan3A_3 to %scan3A_5 step %scan3A_6  : i32 {
      "tpu.region"() ({
        %run_scoped3A = tpu.sem_alloc : memref<!tpu.dma_semaphore, #tpu.memory_space<semaphore_mem>>
        %dma_start3A = arith.constant 0 : i32
        %dma_start3A_10 = tpu.memref_slice %arg6[%scan3A_9, %dma_start3A] : memref<79x128xi32, #tpu.memory_space<vmem>> -> memref<1x128xi32, #tpu.memory_space<vmem>>
        %dma_start3A_11 = tpu.memref_squeeze %dma_start3A_10 : memref<1x128xi32, #tpu.memory_space<vmem>> -> memref<128xi32, #tpu.memory_space<vmem>>
        %dma_start3A_12 = arith.constant 0 : i32
        %dma_start3A_13 = arith.constant 0 : i32
        %dma_start3A_14 = tpu.memref_slice %arg8[%dma_start3A_12, %dma_start3A_13] : memref<10240x128xf32, #tpu.memory_space<vmem_shared>> -> memref<10240x128xf32, #tpu.memory_space<vmem_shared>>
        tpu.enqueue_indirect_dma source(%arg7 : memref<128x128xf32, #tpu.memory_space<vmem>>) target(%dma_start3A_14 : memref<10240x128xf32, #tpu.memory_space<vmem_shared>>) offsets(%dma_start3A_11 : memref<128xi32, #tpu.memory_space<vmem>>) semaphore(%run_scoped3A : memref<!tpu.dma_semaphore, #tpu.memory_space<semaphore_mem>>) {add = true}
        %dma_wait3A = arith.constant 0 : i32
        %dma_wait3A_15 = tpu.memref_slice %arg6[%scan3A_9, %dma_wait3A] : memref<79x128xi32, #tpu.memory_space<vmem>> -> memref<1x128xi32, #tpu.memory_space<vmem>>
        %dma_wait3A_16 = tpu.memref_squeeze %dma_wait3A_15 : memref<1x128xi32, #tpu.memory_space<vmem>> -> memref<128xi32, #tpu.memory_space<vmem>>
        %dma_wait3A_17 = arith.constant 0 : i32
        %dma_wait3A_18 = arith.constant 0 : i32
        %dma_wait3A_19 = tpu.memref_slice %arg8[%dma_wait3A_17, %dma_wait3A_18] : memref<10240x128xf32, #tpu.memory_space<vmem_shared>> -> memref<10240x128xf32, #tpu.memory_space<vmem_shared>>
        tpu.wait_indirect_dma semaphore(%run_scoped3A : memref<!tpu.dma_semaphore, #tpu.memory_space<semaphore_mem>>) src(%arg7 : memref<128x128xf32, #tpu.memory_space<vmem>>) dst(%dma_wait3A_19 : memref<10240x128xf32, #tpu.memory_space<vmem_shared>>)
        tpu.yield
      }) : () -> ()
    }
    %scan3A_7 = arith.constant 79 : i32
    %barrier3A_8 = arith.constant 0 : index
    tpu.barrier barrier_id(%barrier3A_8)
    "tpu.region"() ({
      %run_scoped3A = tpu.sem_alloc : memref<!tpu.dma_semaphore, #tpu.memory_space<semaphore_mem>>
      %dma_start3A = arith.constant 0 : i32
      %dma_start3A_9 = tpu.memref_slice %arg5[%arg0, %mul3A_2, %dma_start3A] : memref<2x10240x128xf32, #tpu.memory_space<hbm>> -> memref<1x640x128xf32, #tpu.memory_space<hbm>>
      %dma_start3A_10 = tpu.memref_squeeze %dma_start3A_9 : memref<1x640x128xf32, #tpu.memory_space<hbm>> -> memref<640x128xf32, #tpu.memory_space<hbm>>
      %dma_start3A_11 = arith.constant 0 : i32
      %dma_start3A_12 = tpu.memref_slice %arg8[%mul3A_2, %dma_start3A_11] : memref<10240x128xf32, #tpu.memory_space<vmem_shared>> -> memref<640x128xf32, #tpu.memory_space<vmem_shared>>
      tpu.enqueue_dma source(%dma_start3A_12 : memref<640x128xf32, #tpu.memory_space<vmem_shared>>) target(%dma_start3A_10 : memref<640x128xf32, #tpu.memory_space<hbm>>) target_semaphore(%run_scoped3A : memref<!tpu.dma_semaphore, #tpu.memory_space<semaphore_mem>>)
      %dma_wait3A = arith.constant 0 : i32
      %dma_wait3A_13 = tpu.memref_slice %arg5[%arg0, %mul3A_2, %dma_wait3A] : memref<2x10240x128xf32, #tpu.memory_space<hbm>> -> memref<1x640x128xf32, #tpu.memory_space<hbm>>
      %dma_wait3A_14 = tpu.memref_squeeze %dma_wait3A_13 : memref<1x640x128xf32, #tpu.memory_space<hbm>> -> memref<640x128xf32, #tpu.memory_space<hbm>>
      %dma_wait3A_15 = arith.constant 0 : i32
      %dma_wait3A_16 = tpu.memref_slice %arg8[%mul3A_2, %dma_wait3A_15] : memref<10240x128xf32, #tpu.memory_space<vmem_shared>> -> memref<640x128xf32, #tpu.memory_space<vmem_shared>>
      tpu.wait_dma2 semaphore(%run_scoped3A : memref<!tpu.dma_semaphore, #tpu.memory_space<semaphore_mem>>) src(%dma_wait3A_16 : memref<640x128xf32, #tpu.memory_space<vmem_shared>>) dst(%dma_wait3A_14 : memref<640x128xf32, #tpu.memory_space<hbm>>)
      tpu.yield
    }) : () -> ()
    return
  }
}

#map = affine_map<(d0, d1) -> (0, 0)>
#map1 = affine_map<(d0, d1) -> (0, 0, 0)>
module attributes {stable_mosaic.version = 14 : i64} {
  func.func @_sc_aggregate(%arg0: i32, %arg1: i32, %arg2: memref<10240x128xf32, #tpu.memory_space<hbm>>, %arg3: memref<32x79x128xi32, #tpu.memory_space<hbm>>, %arg4: memref<32x79x128xi32, #tpu.memory_space<hbm>>, %arg5: memref<2x10240x128xf32, #tpu.memory_space<hbm>>, %arg6: memref<79x128xi32, #tpu.memory_space<vmem>>, %arg7: memref<79x128xi32, #tpu.memory_space<vmem>>, %arg8: memref<128x128xf32, #tpu.memory_space<vmem>>, %arg9: memref<10240x128xf32, #tpu.memory_space<vmem_shared>>) attributes {dimension_semantics = [#tpu.dimension_semantics<core_parallel>, #tpu.dimension_semantics<subcore_parallel>], iteration_bounds = array<i64: 2, 16>, scalar_prefetch = 0 : i64, scratch_operands = 4 : i64, tpu.core_type = #tpu.core_type<sc_vector_subcore>, window_params = [{transform_indices = #map}, {transform_indices = #map1}, {transform_indices = #map1}, {transform_indices = #map1}]} {
    %mul3A = arith.constant 16 : i32
    %mul3A_0 = arith.muli %arg0, %mul3A : i32
    %add3A = arith.addi %mul3A_0, %arg1 : i32
    %mul3A_1 = arith.constant 640 : i32
    %mul3A_2 = arith.muli %arg1, %mul3A_1 : i32
    "tpu.region"() ({
      %run_scoped3A = tpu.sem_alloc : memref<!tpu.dma_semaphore, #tpu.memory_space<semaphore_mem>>
      %dma_start3A = arith.constant 0 : i32
      %dma_start3A_9 = tpu.memref_slice %arg9[%mul3A_2, %dma_start3A] : memref<10240x128xf32, #tpu.memory_space<vmem_shared>> -> memref<640x128xf32, #tpu.memory_space<vmem_shared>>
      %dma_start3A_10 = arith.constant 0 : i32
      %dma_start3A_11 = tpu.memref_slice %arg2[%mul3A_2, %dma_start3A_10] : memref<10240x128xf32, #tpu.memory_space<hbm>> -> memref<640x128xf32, #tpu.memory_space<hbm>>
      tpu.enqueue_dma source(%dma_start3A_11 : memref<640x128xf32, #tpu.memory_space<hbm>>) target(%dma_start3A_9 : memref<640x128xf32, #tpu.memory_space<vmem_shared>>) target_semaphore(%run_scoped3A : memref<!tpu.dma_semaphore, #tpu.memory_space<semaphore_mem>>)
      %dma_wait3A = arith.constant 0 : i32
      %dma_wait3A_12 = tpu.memref_slice %arg9[%mul3A_2, %dma_wait3A] : memref<10240x128xf32, #tpu.memory_space<vmem_shared>> -> memref<640x128xf32, #tpu.memory_space<vmem_shared>>
      %dma_wait3A_13 = arith.constant 0 : i32
      %dma_wait3A_14 = tpu.memref_slice %arg2[%mul3A_2, %dma_wait3A_13] : memref<10240x128xf32, #tpu.memory_space<hbm>> -> memref<640x128xf32, #tpu.memory_space<hbm>>
      tpu.wait_dma2 semaphore(%run_scoped3A : memref<!tpu.dma_semaphore, #tpu.memory_space<semaphore_mem>>) src(%dma_wait3A_14 : memref<640x128xf32, #tpu.memory_space<hbm>>) dst(%dma_wait3A_12 : memref<640x128xf32, #tpu.memory_space<vmem_shared>>)
      tpu.yield
    }) : () -> ()
    "tpu.region"() ({
      %run_scoped3A = tpu.sem_alloc : memref<!tpu.dma_semaphore, #tpu.memory_space<semaphore_mem>>
      %dma_start3A = arith.constant 0 : i32
      %dma_start3A_9 = arith.constant 0 : i32
      %dma_start3A_10 = tpu.memref_slice %arg3[%add3A, %dma_start3A, %dma_start3A_9] : memref<32x79x128xi32, #tpu.memory_space<hbm>> -> memref<1x79x128xi32, #tpu.memory_space<hbm>>
      %dma_start3A_11 = tpu.memref_squeeze %dma_start3A_10 : memref<1x79x128xi32, #tpu.memory_space<hbm>> -> memref<79x128xi32, #tpu.memory_space<hbm>>
      %dma_start3A_12 = arith.constant 0 : i32
      %dma_start3A_13 = arith.constant 0 : i32
      %dma_start3A_14 = tpu.memref_slice %arg3[%add3A, %dma_start3A_12, %dma_start3A_13] : memref<32x79x128xi32, #tpu.memory_space<hbm>> -> memref<1x79x128xi32, #tpu.memory_space<hbm>>
      %dma_start3A_15 = tpu.memref_squeeze %dma_start3A_14 : memref<1x79x128xi32, #tpu.memory_space<hbm>> -> memref<79x128xi32, #tpu.memory_space<hbm>>
      tpu.enqueue_dma source(%dma_start3A_15 : memref<79x128xi32, #tpu.memory_space<hbm>>) target(%arg6 : memref<79x128xi32, #tpu.memory_space<vmem>>) target_semaphore(%run_scoped3A : memref<!tpu.dma_semaphore, #tpu.memory_space<semaphore_mem>>)
      %dma_wait3A = arith.constant 0 : i32
      %dma_wait3A_16 = arith.constant 0 : i32
      %dma_wait3A_17 = tpu.memref_slice %arg3[%add3A, %dma_wait3A, %dma_wait3A_16] : memref<32x79x128xi32, #tpu.memory_space<hbm>> -> memref<1x79x128xi32, #tpu.memory_space<hbm>>
      %dma_wait3A_18 = tpu.memref_squeeze %dma_wait3A_17 : memref<1x79x128xi32, #tpu.memory_space<hbm>> -> memref<79x128xi32, #tpu.memory_space<hbm>>
      %dma_wait3A_19 = arith.constant 0 : i32
      %dma_wait3A_20 = arith.constant 0 : i32
      %dma_wait3A_21 = tpu.memref_slice %arg3[%add3A, %dma_wait3A_19, %dma_wait3A_20] : memref<32x79x128xi32, #tpu.memory_space<hbm>> -> memref<1x79x128xi32, #tpu.memory_space<hbm>>
      %dma_wait3A_22 = tpu.memref_squeeze %dma_wait3A_21 : memref<1x79x128xi32, #tpu.memory_space<hbm>> -> memref<79x128xi32, #tpu.memory_space<hbm>>
      tpu.wait_dma2 semaphore(%run_scoped3A : memref<!tpu.dma_semaphore, #tpu.memory_space<semaphore_mem>>) src(%dma_wait3A_22 : memref<79x128xi32, #tpu.memory_space<hbm>>) dst(%arg6 : memref<79x128xi32, #tpu.memory_space<vmem>>)
      tpu.yield
    }) : () -> ()
    "tpu.region"() ({
      %run_scoped3A = tpu.sem_alloc : memref<!tpu.dma_semaphore, #tpu.memory_space<semaphore_mem>>
      %dma_start3A = arith.constant 0 : i32
      %dma_start3A_9 = arith.constant 0 : i32
      %dma_start3A_10 = tpu.memref_slice %arg4[%add3A, %dma_start3A, %dma_start3A_9] : memref<32x79x128xi32, #tpu.memory_space<hbm>> -> memref<1x79x128xi32, #tpu.memory_space<hbm>>
      %dma_start3A_11 = tpu.memref_squeeze %dma_start3A_10 : memref<1x79x128xi32, #tpu.memory_space<hbm>> -> memref<79x128xi32, #tpu.memory_space<hbm>>
      %dma_start3A_12 = arith.constant 0 : i32
      %dma_start3A_13 = arith.constant 0 : i32
      %dma_start3A_14 = tpu.memref_slice %arg4[%add3A, %dma_start3A_12, %dma_start3A_13] : memref<32x79x128xi32, #tpu.memory_space<hbm>> -> memref<1x79x128xi32, #tpu.memory_space<hbm>>
      %dma_start3A_15 = tpu.memref_squeeze %dma_start3A_14 : memref<1x79x128xi32, #tpu.memory_space<hbm>> -> memref<79x128xi32, #tpu.memory_space<hbm>>
      tpu.enqueue_dma source(%dma_start3A_15 : memref<79x128xi32, #tpu.memory_space<hbm>>) target(%arg7 : memref<79x128xi32, #tpu.memory_space<vmem>>) target_semaphore(%run_scoped3A : memref<!tpu.dma_semaphore, #tpu.memory_space<semaphore_mem>>)
      %dma_wait3A = arith.constant 0 : i32
      %dma_wait3A_16 = arith.constant 0 : i32
      %dma_wait3A_17 = tpu.memref_slice %arg4[%add3A, %dma_wait3A, %dma_wait3A_16] : memref<32x79x128xi32, #tpu.memory_space<hbm>> -> memref<1x79x128xi32, #tpu.memory_space<hbm>>
      %dma_wait3A_18 = tpu.memref_squeeze %dma_wait3A_17 : memref<1x79x128xi32, #tpu.memory_space<hbm>> -> memref<79x128xi32, #tpu.memory_space<hbm>>
      %dma_wait3A_19 = arith.constant 0 : i32
      %dma_wait3A_20 = arith.constant 0 : i32
      %dma_wait3A_21 = tpu.memref_slice %arg4[%add3A, %dma_wait3A_19, %dma_wait3A_20] : memref<32x79x128xi32, #tpu.memory_space<hbm>> -> memref<1x79x128xi32, #tpu.memory_space<hbm>>
      %dma_wait3A_22 = tpu.memref_squeeze %dma_wait3A_21 : memref<1x79x128xi32, #tpu.memory_space<hbm>> -> memref<79x128xi32, #tpu.memory_space<hbm>>
      tpu.wait_dma2 semaphore(%run_scoped3A : memref<!tpu.dma_semaphore, #tpu.memory_space<semaphore_mem>>) src(%dma_wait3A_22 : memref<79x128xi32, #tpu.memory_space<hbm>>) dst(%arg7 : memref<79x128xi32, #tpu.memory_space<vmem>>)
      tpu.yield
    }) : () -> ()
    %barrier3A = arith.constant 0 : index
    tpu.barrier barrier_id(%barrier3A)
    %scan3A = arith.constant 0 : i32
    %scan3A_3 = arith.constant 0 : i32
    %scan3A_4 = arith.constant 79 : i32
    %scan3A_5 = arith.addi %scan3A_3, %scan3A_4 : i32
    %scan3A_6 = arith.constant 1 : i32
    scf.for %scan3A_9 = %scan3A_3 to %scan3A_5 step %scan3A_6  : i32 {
      "tpu.region"() ({
        %run_scoped3A = tpu.sem_alloc : memref<!tpu.dma_semaphore, #tpu.memory_space<semaphore_mem>>
        %dma_start3A = arith.constant 0 : i32
        %dma_start3A_10 = tpu.memref_slice %arg6[%scan3A_9, %dma_start3A] : memref<79x128xi32, #tpu.memory_space<vmem>> -> memref<1x128xi32, #tpu.memory_space<vmem>>
        %dma_start3A_11 = tpu.memref_squeeze %dma_start3A_10 : memref<1x128xi32, #tpu.memory_space<vmem>> -> memref<128xi32, #tpu.memory_space<vmem>>
        %dma_start3A_12 = arith.constant 0 : i32
        %dma_start3A_13 = arith.constant 0 : i32
        %dma_start3A_14 = tpu.memref_slice %arg2[%dma_start3A_12, %dma_start3A_13] : memref<10240x128xf32, #tpu.memory_space<hbm>> -> memref<10240x128xf32, #tpu.memory_space<hbm>>
        tpu.enqueue_indirect_dma source(%dma_start3A_14 : memref<10240x128xf32, #tpu.memory_space<hbm>>) target(%arg8 : memref<128x128xf32, #tpu.memory_space<vmem>>) offsets(%dma_start3A_11 : memref<128xi32, #tpu.memory_space<vmem>>) semaphore(%run_scoped3A : memref<!tpu.dma_semaphore, #tpu.memory_space<semaphore_mem>>)
        %dma_wait3A = arith.constant 0 : i32
        %dma_wait3A_15 = tpu.memref_slice %arg6[%scan3A_9, %dma_wait3A] : memref<79x128xi32, #tpu.memory_space<vmem>> -> memref<1x128xi32, #tpu.memory_space<vmem>>
        %dma_wait3A_16 = tpu.memref_squeeze %dma_wait3A_15 : memref<1x128xi32, #tpu.memory_space<vmem>> -> memref<128xi32, #tpu.memory_space<vmem>>
        %dma_wait3A_17 = arith.constant 0 : i32
        %dma_wait3A_18 = arith.constant 0 : i32
        %dma_wait3A_19 = tpu.memref_slice %arg2[%dma_wait3A_17, %dma_wait3A_18] : memref<10240x128xf32, #tpu.memory_space<hbm>> -> memref<10240x128xf32, #tpu.memory_space<hbm>>
        tpu.wait_indirect_dma semaphore(%run_scoped3A : memref<!tpu.dma_semaphore, #tpu.memory_space<semaphore_mem>>) src(%dma_wait3A_19 : memref<10240x128xf32, #tpu.memory_space<hbm>>) dst(%arg8 : memref<128x128xf32, #tpu.memory_space<vmem>>)
        tpu.yield
      }) : () -> ()
      "tpu.region"() ({
        %run_scoped3A = tpu.sem_alloc : memref<!tpu.dma_semaphore, #tpu.memory_space<semaphore_mem>>
        %dma_start3A = arith.constant 0 : i32
        %dma_start3A_10 = tpu.memref_slice %arg7[%scan3A_9, %dma_start3A] : memref<79x128xi32, #tpu.memory_space<vmem>> -> memref<1x128xi32, #tpu.memory_space<vmem>>
        %dma_start3A_11 = tpu.memref_squeeze %dma_start3A_10 : memref<1x128xi32, #tpu.memory_space<vmem>> -> memref<128xi32, #tpu.memory_space<vmem>>
        %dma_start3A_12 = arith.constant 0 : i32
        %dma_start3A_13 = arith.constant 0 : i32
        %dma_start3A_14 = tpu.memref_slice %arg9[%dma_start3A_12, %dma_start3A_13] : memref<10240x128xf32, #tpu.memory_space<vmem_shared>> -> memref<10240x128xf32, #tpu.memory_space<vmem_shared>>
        tpu.enqueue_indirect_dma source(%arg8 : memref<128x128xf32, #tpu.memory_space<vmem>>) target(%dma_start3A_14 : memref<10240x128xf32, #tpu.memory_space<vmem_shared>>) offsets(%dma_start3A_11 : memref<128xi32, #tpu.memory_space<vmem>>) semaphore(%run_scoped3A : memref<!tpu.dma_semaphore, #tpu.memory_space<semaphore_mem>>) {add = true}
        %dma_wait3A = arith.constant 0 : i32
        %dma_wait3A_15 = tpu.memref_slice %arg7[%scan3A_9, %dma_wait3A] : memref<79x128xi32, #tpu.memory_space<vmem>> -> memref<1x128xi32, #tpu.memory_space<vmem>>
        %dma_wait3A_16 = tpu.memref_squeeze %dma_wait3A_15 : memref<1x128xi32, #tpu.memory_space<vmem>> -> memref<128xi32, #tpu.memory_space<vmem>>
        %dma_wait3A_17 = arith.constant 0 : i32
        %dma_wait3A_18 = arith.constant 0 : i32
        %dma_wait3A_19 = tpu.memref_slice %arg9[%dma_wait3A_17, %dma_wait3A_18] : memref<10240x128xf32, #tpu.memory_space<vmem_shared>> -> memref<10240x128xf32, #tpu.memory_space<vmem_shared>>
        tpu.wait_indirect_dma semaphore(%run_scoped3A : memref<!tpu.dma_semaphore, #tpu.memory_space<semaphore_mem>>) src(%arg8 : memref<128x128xf32, #tpu.memory_space<vmem>>) dst(%dma_wait3A_19 : memref<10240x128xf32, #tpu.memory_space<vmem_shared>>)
        tpu.yield
      }) : () -> ()
    }
    %scan3A_7 = arith.constant 79 : i32
    %barrier3A_8 = arith.constant 0 : index
    tpu.barrier barrier_id(%barrier3A_8)
    "tpu.region"() ({
      %run_scoped3A = tpu.sem_alloc : memref<!tpu.dma_semaphore, #tpu.memory_space<semaphore_mem>>
      %dma_start3A = arith.constant 0 : i32
      %dma_start3A_9 = tpu.memref_slice %arg5[%arg0, %mul3A_2, %dma_start3A] : memref<2x10240x128xf32, #tpu.memory_space<hbm>> -> memref<1x640x128xf32, #tpu.memory_space<hbm>>
      %dma_start3A_10 = tpu.memref_squeeze %dma_start3A_9 : memref<1x640x128xf32, #tpu.memory_space<hbm>> -> memref<640x128xf32, #tpu.memory_space<hbm>>
      %dma_start3A_11 = arith.constant 0 : i32
      %dma_start3A_12 = tpu.memref_slice %arg9[%mul3A_2, %dma_start3A_11] : memref<10240x128xf32, #tpu.memory_space<vmem_shared>> -> memref<640x128xf32, #tpu.memory_space<vmem_shared>>
      tpu.enqueue_dma source(%dma_start3A_12 : memref<640x128xf32, #tpu.memory_space<vmem_shared>>) target(%dma_start3A_10 : memref<640x128xf32, #tpu.memory_space<hbm>>) target_semaphore(%run_scoped3A : memref<!tpu.dma_semaphore, #tpu.memory_space<semaphore_mem>>)
      %dma_wait3A = arith.constant 0 : i32
      %dma_wait3A_13 = tpu.memref_slice %arg5[%arg0, %mul3A_2, %dma_wait3A] : memref<2x10240x128xf32, #tpu.memory_space<hbm>> -> memref<1x640x128xf32, #tpu.memory_space<hbm>>
      %dma_wait3A_14 = tpu.memref_squeeze %dma_wait3A_13 : memref<1x640x128xf32, #tpu.memory_space<hbm>> -> memref<640x128xf32, #tpu.memory_space<hbm>>
      %dma_wait3A_15 = arith.constant 0 : i32
      %dma_wait3A_16 = tpu.memref_slice %arg9[%mul3A_2, %dma_wait3A_15] : memref<10240x128xf32, #tpu.memory_space<vmem_shared>> -> memref<640x128xf32, #tpu.memory_space<vmem_shared>>
      tpu.wait_dma2 semaphore(%run_scoped3A : memref<!tpu.dma_semaphore, #tpu.memory_space<semaphore_mem>>) src(%dma_wait3A_16 : memref<640x128xf32, #tpu.memory_space<vmem_shared>>) dst(%dma_wait3A_14 : memref<640x128xf32, #tpu.memory_space<hbm>>)
      tpu.yield
    }) : () -> ()
    return
  }
}

#map = affine_map<(d0, d1) -> (0, 0)>
#map1 = affine_map<(d0, d1) -> (0, 0, 0)>
module attributes {stable_mosaic.version = 14 : i64} {
  func.func @_sc_aggregate(%arg0: i32, %arg1: i32, %arg2: memref<10240x128xf32, #tpu.memory_space<hbm>>, %arg3: memref<32x79x128xi32, #tpu.memory_space<hbm>>, %arg4: memref<32x79x128xi32, #tpu.memory_space<hbm>>, %arg5: memref<2x10240x128xf32, #tpu.memory_space<hbm>>, %arg6: memref<79x128xi32, #tpu.memory_space<vmem>>, %arg7: memref<79x128xi32, #tpu.memory_space<vmem>>, %arg8: memref<128x128xf32, #tpu.memory_space<vmem>>, %arg9: memref<10240x128xf32, #tpu.memory_space<vmem_shared>>) attributes {dimension_semantics = [#tpu.dimension_semantics<core_parallel>, #tpu.dimension_semantics<subcore_parallel>], iteration_bounds = array<i64: 2, 16>, scalar_prefetch = 0 : i64, scratch_operands = 4 : i64, tpu.core_type = #tpu.core_type<sc_vector_subcore>, window_params = [{transform_indices = #map}, {transform_indices = #map1}, {transform_indices = #map1}, {transform_indices = #map1}]} {
    %mul3A = arith.constant 16 : i32
    %mul3A_0 = arith.muli %arg0, %mul3A : i32
    %add3A = arith.addi %mul3A_0, %arg1 : i32
    %mul3A_1 = arith.constant 640 : i32
    %mul3A_2 = arith.muli %arg1, %mul3A_1 : i32
    "tpu.region"() ({
      %run_scoped3A = tpu.sem_alloc : memref<!tpu.dma_semaphore, #tpu.memory_space<semaphore_mem>>
      %dma_start3A = arith.constant 0 : i32
      %dma_start3A_9 = tpu.memref_slice %arg9[%mul3A_2, %dma_start3A] : memref<10240x128xf32, #tpu.memory_space<vmem_shared>> -> memref<640x128xf32, #tpu.memory_space<vmem_shared>>
      %dma_start3A_10 = arith.constant 0 : i32
      %dma_start3A_11 = tpu.memref_slice %arg2[%mul3A_2, %dma_start3A_10] : memref<10240x128xf32, #tpu.memory_space<hbm>> -> memref<640x128xf32, #tpu.memory_space<hbm>>
      tpu.enqueue_dma source(%dma_start3A_11 : memref<640x128xf32, #tpu.memory_space<hbm>>) target(%dma_start3A_9 : memref<640x128xf32, #tpu.memory_space<vmem_shared>>) target_semaphore(%run_scoped3A : memref<!tpu.dma_semaphore, #tpu.memory_space<semaphore_mem>>)
      %dma_wait3A = arith.constant 0 : i32
      %dma_wait3A_12 = tpu.memref_slice %arg9[%mul3A_2, %dma_wait3A] : memref<10240x128xf32, #tpu.memory_space<vmem_shared>> -> memref<640x128xf32, #tpu.memory_space<vmem_shared>>
      %dma_wait3A_13 = arith.constant 0 : i32
      %dma_wait3A_14 = tpu.memref_slice %arg2[%mul3A_2, %dma_wait3A_13] : memref<10240x128xf32, #tpu.memory_space<hbm>> -> memref<640x128xf32, #tpu.memory_space<hbm>>
      tpu.wait_dma2 semaphore(%run_scoped3A : memref<!tpu.dma_semaphore, #tpu.memory_space<semaphore_mem>>) src(%dma_wait3A_14 : memref<640x128xf32, #tpu.memory_space<hbm>>) dst(%dma_wait3A_12 : memref<640x128xf32, #tpu.memory_space<vmem_shared>>)
      tpu.yield
    }) : () -> ()
    "tpu.region"() ({
      %run_scoped3A = tpu.sem_alloc : memref<!tpu.dma_semaphore, #tpu.memory_space<semaphore_mem>>
      %dma_start3A = arith.constant 0 : i32
      %dma_start3A_9 = arith.constant 0 : i32
      %dma_start3A_10 = tpu.memref_slice %arg3[%add3A, %dma_start3A, %dma_start3A_9] : memref<32x79x128xi32, #tpu.memory_space<hbm>> -> memref<1x79x128xi32, #tpu.memory_space<hbm>>
      %dma_start3A_11 = tpu.memref_squeeze %dma_start3A_10 : memref<1x79x128xi32, #tpu.memory_space<hbm>> -> memref<79x128xi32, #tpu.memory_space<hbm>>
      %dma_start3A_12 = arith.constant 0 : i32
      %dma_start3A_13 = arith.constant 0 : i32
      %dma_start3A_14 = tpu.memref_slice %arg3[%add3A, %dma_start3A_12, %dma_start3A_13] : memref<32x79x128xi32, #tpu.memory_space<hbm>> -> memref<1x79x128xi32, #tpu.memory_space<hbm>>
      %dma_start3A_15 = tpu.memref_squeeze %dma_start3A_14 : memref<1x79x128xi32, #tpu.memory_space<hbm>> -> memref<79x128xi32, #tpu.memory_space<hbm>>
      tpu.enqueue_dma source(%dma_start3A_15 : memref<79x128xi32, #tpu.memory_space<hbm>>) target(%arg6 : memref<79x128xi32, #tpu.memory_space<vmem>>) target_semaphore(%run_scoped3A : memref<!tpu.dma_semaphore, #tpu.memory_space<semaphore_mem>>)
      %dma_wait3A = arith.constant 0 : i32
      %dma_wait3A_16 = arith.constant 0 : i32
      %dma_wait3A_17 = tpu.memref_slice %arg3[%add3A, %dma_wait3A, %dma_wait3A_16] : memref<32x79x128xi32, #tpu.memory_space<hbm>> -> memref<1x79x128xi32, #tpu.memory_space<hbm>>
      %dma_wait3A_18 = tpu.memref_squeeze %dma_wait3A_17 : memref<1x79x128xi32, #tpu.memory_space<hbm>> -> memref<79x128xi32, #tpu.memory_space<hbm>>
      %dma_wait3A_19 = arith.constant 0 : i32
      %dma_wait3A_20 = arith.constant 0 : i32
      %dma_wait3A_21 = tpu.memref_slice %arg3[%add3A, %dma_wait3A_19, %dma_wait3A_20] : memref<32x79x128xi32, #tpu.memory_space<hbm>> -> memref<1x79x128xi32, #tpu.memory_space<hbm>>
      %dma_wait3A_22 = tpu.memref_squeeze %dma_wait3A_21 : memref<1x79x128xi32, #tpu.memory_space<hbm>> -> memref<79x128xi32, #tpu.memory_space<hbm>>
      tpu.wait_dma2 semaphore(%run_scoped3A : memref<!tpu.dma_semaphore, #tpu.memory_space<semaphore_mem>>) src(%dma_wait3A_22 : memref<79x128xi32, #tpu.memory_space<hbm>>) dst(%arg6 : memref<79x128xi32, #tpu.memory_space<vmem>>)
      tpu.yield
    }) : () -> ()
    "tpu.region"() ({
      %run_scoped3A = tpu.sem_alloc : memref<!tpu.dma_semaphore, #tpu.memory_space<semaphore_mem>>
      %dma_start3A = arith.constant 0 : i32
      %dma_start3A_9 = arith.constant 0 : i32
      %dma_start3A_10 = tpu.memref_slice %arg4[%add3A, %dma_start3A, %dma_start3A_9] : memref<32x79x128xi32, #tpu.memory_space<hbm>> -> memref<1x79x128xi32, #tpu.memory_space<hbm>>
      %dma_start3A_11 = tpu.memref_squeeze %dma_start3A_10 : memref<1x79x128xi32, #tpu.memory_space<hbm>> -> memref<79x128xi32, #tpu.memory_space<hbm>>
      %dma_start3A_12 = arith.constant 0 : i32
      %dma_start3A_13 = arith.constant 0 : i32
      %dma_start3A_14 = tpu.memref_slice %arg4[%add3A, %dma_start3A_12, %dma_start3A_13] : memref<32x79x128xi32, #tpu.memory_space<hbm>> -> memref<1x79x128xi32, #tpu.memory_space<hbm>>
      %dma_start3A_15 = tpu.memref_squeeze %dma_start3A_14 : memref<1x79x128xi32, #tpu.memory_space<hbm>> -> memref<79x128xi32, #tpu.memory_space<hbm>>
      tpu.enqueue_dma source(%dma_start3A_15 : memref<79x128xi32, #tpu.memory_space<hbm>>) target(%arg7 : memref<79x128xi32, #tpu.memory_space<vmem>>) target_semaphore(%run_scoped3A : memref<!tpu.dma_semaphore, #tpu.memory_space<semaphore_mem>>)
      %dma_wait3A = arith.constant 0 : i32
      %dma_wait3A_16 = arith.constant 0 : i32
      %dma_wait3A_17 = tpu.memref_slice %arg4[%add3A, %dma_wait3A, %dma_wait3A_16] : memref<32x79x128xi32, #tpu.memory_space<hbm>> -> memref<1x79x128xi32, #tpu.memory_space<hbm>>
      %dma_wait3A_18 = tpu.memref_squeeze %dma_wait3A_17 : memref<1x79x128xi32, #tpu.memory_space<hbm>> -> memref<79x128xi32, #tpu.memory_space<hbm>>
      %dma_wait3A_19 = arith.constant 0 : i32
      %dma_wait3A_20 = arith.constant 0 : i32
      %dma_wait3A_21 = tpu.memref_slice %arg4[%add3A, %dma_wait3A_19, %dma_wait3A_20] : memref<32x79x128xi32, #tpu.memory_space<hbm>> -> memref<1x79x128xi32, #tpu.memory_space<hbm>>
      %dma_wait3A_22 = tpu.memref_squeeze %dma_wait3A_21 : memref<1x79x128xi32, #tpu.memory_space<hbm>> -> memref<79x128xi32, #tpu.memory_space<hbm>>
      tpu.wait_dma2 semaphore(%run_scoped3A : memref<!tpu.dma_semaphore, #tpu.memory_space<semaphore_mem>>) src(%dma_wait3A_22 : memref<79x128xi32, #tpu.memory_space<hbm>>) dst(%arg7 : memref<79x128xi32, #tpu.memory_space<vmem>>)
      tpu.yield
    }) : () -> ()
    %barrier3A = arith.constant 0 : index
    tpu.barrier barrier_id(%barrier3A)
    %scan3A = arith.constant 0 : i32
    %scan3A_3 = arith.constant 0 : i32
    %scan3A_4 = arith.constant 79 : i32
    %scan3A_5 = arith.addi %scan3A_3, %scan3A_4 : i32
    %scan3A_6 = arith.constant 1 : i32
    scf.for %scan3A_9 = %scan3A_3 to %scan3A_5 step %scan3A_6  : i32 {
      "tpu.region"() ({
        %run_scoped3A = tpu.sem_alloc : memref<!tpu.dma_semaphore, #tpu.memory_space<semaphore_mem>>
        %dma_start3A = arith.constant 0 : i32
        %dma_start3A_10 = tpu.memref_slice %arg6[%scan3A_9, %dma_start3A] : memref<79x128xi32, #tpu.memory_space<vmem>> -> memref<1x128xi32, #tpu.memory_space<vmem>>
        %dma_start3A_11 = tpu.memref_squeeze %dma_start3A_10 : memref<1x128xi32, #tpu.memory_space<vmem>> -> memref<128xi32, #tpu.memory_space<vmem>>
        %dma_start3A_12 = arith.constant 0 : i32
        %dma_start3A_13 = arith.constant 0 : i32
        %dma_start3A_14 = tpu.memref_slice %arg2[%dma_start3A_12, %dma_start3A_13] : memref<10240x128xf32, #tpu.memory_space<hbm>> -> memref<10240x128xf32, #tpu.memory_space<hbm>>
        tpu.enqueue_indirect_dma source(%dma_start3A_14 : memref<10240x128xf32, #tpu.memory_space<hbm>>) target(%arg8 : memref<128x128xf32, #tpu.memory_space<vmem>>) offsets(%dma_start3A_11 : memref<128xi32, #tpu.memory_space<vmem>>) semaphore(%run_scoped3A : memref<!tpu.dma_semaphore, #tpu.memory_space<semaphore_mem>>)
        %dma_wait3A = arith.constant 0 : i32
        %dma_wait3A_15 = tpu.memref_slice %arg6[%scan3A_9, %dma_wait3A] : memref<79x128xi32, #tpu.memory_space<vmem>> -> memref<1x128xi32, #tpu.memory_space<vmem>>
        %dma_wait3A_16 = tpu.memref_squeeze %dma_wait3A_15 : memref<1x128xi32, #tpu.memory_space<vmem>> -> memref<128xi32, #tpu.memory_space<vmem>>
        %dma_wait3A_17 = arith.constant 0 : i32
        %dma_wait3A_18 = arith.constant 0 : i32
        %dma_wait3A_19 = tpu.memref_slice %arg2[%dma_wait3A_17, %dma_wait3A_18] : memref<10240x128xf32, #tpu.memory_space<hbm>> -> memref<10240x128xf32, #tpu.memory_space<hbm>>
        tpu.wait_indirect_dma semaphore(%run_scoped3A : memref<!tpu.dma_semaphore, #tpu.memory_space<semaphore_mem>>) src(%dma_wait3A_19 : memref<10240x128xf32, #tpu.memory_space<hbm>>) dst(%arg8 : memref<128x128xf32, #tpu.memory_space<vmem>>)
        tpu.yield
      }) : () -> ()
      "tpu.region"() ({
        %run_scoped3A = tpu.sem_alloc : memref<!tpu.dma_semaphore, #tpu.memory_space<semaphore_mem>>
        %dma_start3A = arith.constant 0 : i32
        %dma_start3A_10 = tpu.memref_slice %arg7[%scan3A_9, %dma_start3A] : memref<79x128xi32, #tpu.memory_space<vmem>> -> memref<1x128xi32, #tpu.memory_space<vmem>>
        %dma_start3A_11 = tpu.memref_squeeze %dma_start3A_10 : memref<1x128xi32, #tpu.memory_space<vmem>> -> memref<128xi32, #tpu.memory_space<vmem>>
        %dma_start3A_12 = arith.constant 0 : i32
        %dma_start3A_13 = arith.constant 0 : i32
        %dma_start3A_14 = tpu.memref_slice %arg9[%dma_start3A_12, %dma_start3A_13] : memref<10240x128xf32, #tpu.memory_space<vmem_shared>> -> memref<10240x128xf32, #tpu.memory_space<vmem_shared>>
        tpu.enqueue_indirect_dma source(%arg8 : memref<128x128xf32, #tpu.memory_space<vmem>>) target(%dma_start3A_14 : memref<10240x128xf32, #tpu.memory_space<vmem_shared>>) offsets(%dma_start3A_11 : memref<128xi32, #tpu.memory_space<vmem>>) semaphore(%run_scoped3A : memref<!tpu.dma_semaphore, #tpu.memory_space<semaphore_mem>>) {add = true}
        %dma_wait3A = arith.constant 0 : i32
        %dma_wait3A_15 = tpu.memref_slice %arg7[%scan3A_9, %dma_wait3A] : memref<79x128xi32, #tpu.memory_space<vmem>> -> memref<1x128xi32, #tpu.memory_space<vmem>>
        %dma_wait3A_16 = tpu.memref_squeeze %dma_wait3A_15 : memref<1x128xi32, #tpu.memory_space<vmem>> -> memref<128xi32, #tpu.memory_space<vmem>>
        %dma_wait3A_17 = arith.constant 0 : i32
        %dma_wait3A_18 = arith.constant 0 : i32
        %dma_wait3A_19 = tpu.memref_slice %arg9[%dma_wait3A_17, %dma_wait3A_18] : memref<10240x128xf32, #tpu.memory_space<vmem_shared>> -> memref<10240x128xf32, #tpu.memory_space<vmem_shared>>
        tpu.wait_indirect_dma semaphore(%run_scoped3A : memref<!tpu.dma_semaphore, #tpu.memory_space<semaphore_mem>>) src(%arg8 : memref<128x128xf32, #tpu.memory_space<vmem>>) dst(%dma_wait3A_19 : memref<10240x128xf32, #tpu.memory_space<vmem_shared>>)
        tpu.yield
      }) : () -> ()
    }
    %scan3A_7 = arith.constant 79 : i32
    %barrier3A_8 = arith.constant 0 : index
    tpu.barrier barrier_id(%barrier3A_8)
    "tpu.region"() ({
      %run_scoped3A = tpu.sem_alloc : memref<!tpu.dma_semaphore, #tpu.memory_space<semaphore_mem>>
      %dma_start3A = arith.constant 0 : i32
      %dma_start3A_9 = tpu.memref_slice %arg5[%arg0, %mul3A_2, %dma_start3A] : memref<2x10240x128xf32, #tpu.memory_space<hbm>> -> memref<1x640x128xf32, #tpu.memory_space<hbm>>
      %dma_start3A_10 = tpu.memref_squeeze %dma_start3A_9 : memref<1x640x128xf32, #tpu.memory_space<hbm>> -> memref<640x128xf32, #tpu.memory_space<hbm>>
      %dma_start3A_11 = arith.constant 0 : i32
      %dma_start3A_12 = tpu.memref_slice %arg9[%mul3A_2, %dma_start3A_11] : memref<10240x128xf32, #tpu.memory_space<vmem_shared>> -> memref<640x128xf32, #tpu.memory_space<vmem_shared>>
      tpu.enqueue_dma source(%dma_start3A_12 : memref<640x128xf32, #tpu.memory_space<vmem_shared>>) target(%dma_start3A_10 : memref<640x128xf32, #tpu.memory_space<hbm>>) target_semaphore(%run_scoped3A : memref<!tpu.dma_semaphore, #tpu.memory_space<semaphore_mem>>)
      %dma_wait3A = arith.constant 0 : i32
      %dma_wait3A_13 = tpu.memref_slice %arg5[%arg0, %mul3A_2, %dma_wait3A] : memref<2x10240x128xf32, #tpu.memory_space<hbm>> -> memref<1x640x128xf32, #tpu.memory_space<hbm>>
      %dma_wait3A_14 = tpu.memref_squeeze %dma_wait3A_13 : memref<1x640x128xf32, #tpu.memory_space<hbm>> -> memref<640x128xf32, #tpu.memory_space<hbm>>
      %dma_wait3A_15 = arith.constant 0 : i32
      %dma_wait3A_16 = tpu.memref_slice %arg9[%mul3A_2, %dma_wait3A_15] : memref<10240x128xf32, #tpu.memory_space<vmem_shared>> -> memref<640x128xf32, #tpu.memory_space<vmem_shared>>
      tpu.wait_dma2 semaphore(%run_scoped3A : memref<!tpu.dma_semaphore, #tpu.memory_space<semaphore_mem>>) src(%dma_wait3A_16 : memref<640x128xf32, #tpu.memory_space<vmem_shared>>) dst(%dma_wait3A_14 : memref<640x128xf32, #tpu.memory_space<hbm>>)
      tpu.yield
    }) : () -> ()
    return
  }
}

module attributes {stable_mosaic.version = 14 : i64} {
  func.func @_prep_body(%arg0: i32, %arg1: memref<2048x128xf32, #tpu.memory_space<vmem>>, %arg2: memref<7x128x128xf32, #tpu.memory_space<vmem>>, %arg3: memref<2x2048x128xf32, #tpu.memory_space<vmem>>, %arg4: memref<2048x128xf32, #tpu.memory_space<vmem>>, %arg5: memref<2048x1xf32, #tpu.memory_space<vmem>>) attributes {dimension_semantics = [#tpu.dimension_semantics<arbitrary>], iteration_bounds = array<i64: 5>, scalar_prefetch = 0 : i64, scratch_operands = 0 : i64, tpu.core_type = #tpu.core_type<tc>, window_params = [{transform_indices = @transform_0, window_bounds = array<i64: 2048, 128>}, {pipeline_mode = #tpu.pipeline_mode<synchronous>, transform_indices = @transform_1, window_bounds = array<i64: 7, 128, 128>}, {transform_indices = @transform_2, window_bounds = array<i64: 2, 2048, 128>}, {transform_indices = @transform_3, window_bounds = array<i64: 2048, 128>}, {transform_indices = @transform_4, window_bounds = array<i64: 2048, 1>}]} {
    %get3A = arith.constant 0 : index
    %get3A_0 = arith.constant 0 : index
    %get3A_1 = arith.constant 0 : index
    %get3A_2 = vector.load %arg2[%get3A, %get3A_0, %get3A_1] : memref<7x128x128xf32, #tpu.memory_space<vmem>>, vector<1x128x128xf32>
    %get3A_3 = vector.shape_cast %get3A_2 : vector<1x128x128xf32> to vector<128x128xf32>
    %get3A_4 = arith.constant 1 : index
    %get3A_5 = arith.constant 0 : index
    %get3A_6 = arith.constant 0 : index
    %get3A_7 = vector.load %arg2[%get3A_4, %get3A_5, %get3A_6] : memref<7x128x128xf32, #tpu.memory_space<vmem>>, vector<1x128x128xf32>
    %get3A_8 = vector.shape_cast %get3A_7 : vector<1x128x128xf32> to vector<128x128xf32>
    %add3A = arith.addf %get3A_3, %get3A_8 : vector<128x128xf32>
    %get3A_9 = arith.constant 2 : index
    %get3A_10 = arith.constant 0 : index
    %get3A_11 = arith.constant 0 : index
    %get3A_12 = vector.load %arg2[%get3A_9, %get3A_10, %get3A_11] : memref<7x128x128xf32, #tpu.memory_space<vmem>>, vector<1x128x128xf32>
    %get3A_13 = vector.shape_cast %get3A_12 : vector<1x128x128xf32> to vector<128x128xf32>
    %add3A_14 = arith.addf %add3A, %get3A_13 : vector<128x128xf32>
    %get3A_15 = arith.constant 3 : index
    %get3A_16 = arith.constant 0 : index
    %get3A_17 = arith.constant 0 : index
    %get3A_18 = vector.load %arg2[%get3A_15, %get3A_16, %get3A_17] : memref<7x128x128xf32, #tpu.memory_space<vmem>>, vector<1x128x128xf32>
    %get3A_19 = vector.shape_cast %get3A_18 : vector<1x128x128xf32> to vector<128x128xf32>
    %add3A_20 = arith.addf %add3A_14, %get3A_19 : vector<128x128xf32>
    %get3A_21 = arith.constant 4 : index
    %get3A_22 = arith.constant 0 : index
    %get3A_23 = arith.constant 0 : index
    %get3A_24 = vector.load %arg2[%get3A_21, %get3A_22, %get3A_23] : memref<7x128x128xf32, #tpu.memory_space<vmem>>, vector<1x128x128xf32>
    %get3A_25 = vector.shape_cast %get3A_24 : vector<1x128x128xf32> to vector<128x128xf32>
    %add3A_26 = arith.addf %add3A_20, %get3A_25 : vector<128x128xf32>
    %get3A_27 = arith.constant 5 : index
    %get3A_28 = arith.constant 0 : index
    %get3A_29 = arith.constant 0 : index
    %get3A_30 = vector.load %arg2[%get3A_27, %get3A_28, %get3A_29] : memref<7x128x128xf32, #tpu.memory_space<vmem>>, vector<1x128x128xf32>
    %get3A_31 = vector.shape_cast %get3A_30 : vector<1x128x128xf32> to vector<128x128xf32>
    %add3A_32 = arith.addf %add3A_26, %get3A_31 : vector<128x128xf32>
    %get3A_33 = arith.constant 6 : index
    %get3A_34 = arith.constant 0 : index
    %get3A_35 = arith.constant 0 : index
    %get3A_36 = vector.load %arg2[%get3A_33, %get3A_34, %get3A_35] : memref<7x128x128xf32, #tpu.memory_space<vmem>>, vector<1x128x128xf32>
    %get3A_37 = vector.shape_cast %get3A_36 : vector<1x128x128xf32> to vector<128x128xf32>
    %add3A_38 = arith.addf %add3A_32, %get3A_37 : vector<128x128xf32>
    %get3A_39 = arith.constant 0 : index
    %get3A_40 = arith.constant 0 : index
    %get3A_41 = vector.load %arg1[%get3A_39, %get3A_40] : memref<2048x128xf32, #tpu.memory_space<vmem>>, vector<2048x128xf32>
    %dot_general3A = arith.constant dense<0.000000e+00> : vector<2048x128xf32>
    %dot_general3A_42 = tpu.matmul %get3A_41, %add3A_38, %dot_general3A {dimension_numbers = #tpu.dot_dimension_numbers<[1], [0], [0], [1], [0, 0, 1, 1], [], []>, transpose_lhs_hint = false} : vector<2048x128xf32>, vector<128x128xf32>, vector<2048x128xf32> -> vector<2048x128xf32>
    %get3A_43 = arith.constant 0 : index
    %get3A_44 = arith.constant 0 : index
    %get3A_45 = arith.constant 0 : index
    %get3A_46 = vector.load %arg3[%get3A_43, %get3A_44, %get3A_45] : memref<2x2048x128xf32, #tpu.memory_space<vmem>>, vector<1x2048x1xf32>
    %get3A_47 = vector.shape_cast %get3A_46 : vector<1x2048x1xf32> to vector<2048x1xf32>
    %get3A_48 = arith.constant 1 : index
    %get3A_49 = arith.constant 0 : index
    %get3A_50 = arith.constant 0 : index
    %get3A_51 = vector.load %arg3[%get3A_48, %get3A_49, %get3A_50] : memref<2x2048x128xf32, #tpu.memory_space<vmem>>, vector<1x2048x1xf32>
    %get3A_52 = vector.shape_cast %get3A_51 : vector<1x2048x1xf32> to vector<2048x1xf32>
    %add3A_53 = arith.addf %get3A_47, %get3A_52 : vector<2048x1xf32>
    %add3A_54 = arith.constant 1.000000e+00 : f32
    %add3A_55 = vector.broadcast %add3A_54 : f32 to vector<2048x1xf32>
    %add3A_56 = arith.addf %add3A_53, %add3A_55 : vector<2048x1xf32>
    %rsqrt3A = math.rsqrt %add3A_56 : vector<2048x1xf32>
    %mul3A = vector.broadcast %rsqrt3A : vector<2048x1xf32> to vector<2048x128xf32>
    %mul3A_57 = arith.mulf %dot_general3A_42, %mul3A : vector<2048x128xf32>
    %swap3A = arith.constant 0 : index
    %swap3A_58 = arith.constant 0 : index
    %swap3A_59 = vector.load %arg4[%swap3A, %swap3A_58] : memref<2048x128xf32, #tpu.memory_space<vmem>>, vector<2048x128xf32>
    tpu.vector_store %arg4[%swap3A, %swap3A_58], %mul3A_57 {strides = array<i32>} : memref<2048x128xf32, #tpu.memory_space<vmem>>, vector<2048x128xf32>,
    %swap3A_60 = arith.constant 0 : index
    %swap3A_61 = arith.constant 0 : index
    %swap3A_62 = vector.load %arg5[%swap3A_60, %swap3A_61] : memref<2048x1xf32, #tpu.memory_space<vmem>>, vector<2048x1xf32>
    tpu.vector_store %arg5[%swap3A_60, %swap3A_61], %rsqrt3A {strides = array<i32>} : memref<2048x1xf32, #tpu.memory_space<vmem>>, vector<2048x1xf32>,
    return
  }
  func.func @transform_0(%arg0: i32) -> (i32, i32) {
    %c0_i32 = arith.constant 0 : i32
    %c0_i32_0 = arith.constant 0 : i32
    return %arg0, %c0_i32 : i32, i32
  }
  func.func @transform_1(%arg0: i32) -> (i32, i32, i32) {
    %c0_i32 = arith.constant 0 : i32
    %c0_i32_0 = arith.constant 0 : i32
    %c0_i32_1 = arith.constant 0 : i32
    %c0_i32_2 = arith.constant 0 : i32
    return %c0_i32, %c0_i32_0, %c0_i32_1 : i32, i32, i32
  }
  func.func @transform_2(%arg0: i32) -> (i32, i32, i32) {
    %c0_i32 = arith.constant 0 : i32
    %c0_i32_0 = arith.constant 0 : i32
    %c0_i32_1 = arith.constant 0 : i32
    return %c0_i32, %arg0, %c0_i32_0 : i32, i32, i32
  }
  func.func @transform_3(%arg0: i32) -> (i32, i32) {
    %c0_i32 = arith.constant 0 : i32
    %c0_i32_0 = arith.constant 0 : i32
    return %arg0, %c0_i32 : i32, i32
  }
  func.func @transform_4(%arg0: i32) -> (i32, i32) {
    %c0_i32 = arith.constant 0 : i32
    %c0_i32_0 = arith.constant 0 : i32
    return %arg0, %c0_i32 : i32, i32
  }
}

module attributes {stable_mosaic.version = 14 : i64} {
  func.func @_mid_body(%arg0: i32, %arg1: memref<2x2048x128xf32, #tpu.memory_space<vmem>>, %arg2: memref<2048x128xf32, #tpu.memory_space<vmem>>, %arg3: memref<2048x1xf32, #tpu.memory_space<vmem>>, %arg4: memref<7x128xf32, #tpu.memory_space<vmem>>, %arg5: memref<128x128xf32, #tpu.memory_space<vmem>>, %arg6: memref<2048x128xf32, #tpu.memory_space<vmem>>) attributes {dimension_semantics = [#tpu.dimension_semantics<arbitrary>], iteration_bounds = array<i64: 5>, scalar_prefetch = 0 : i64, scratch_operands = 0 : i64, tpu.core_type = #tpu.core_type<tc>, window_params = [{transform_indices = @transform_0, window_bounds = array<i64: 2, 2048, 128>}, {transform_indices = @transform_1, window_bounds = array<i64: 2048, 128>}, {transform_indices = @transform_2, window_bounds = array<i64: 2048, 1>}, {pipeline_mode = #tpu.pipeline_mode<synchronous>, transform_indices = @transform_3, window_bounds = array<i64: 7, 128>}, {pipeline_mode = #tpu.pipeline_mode<synchronous>, transform_indices = @transform_4, window_bounds = array<i64: 128, 128>}, {transform_indices = @transform_5, window_bounds = array<i64: 2048, 128>}]} {
    %get3A = arith.constant 0 : index
    %get3A_0 = arith.constant 0 : index
    %get3A_1 = vector.load %arg4[%get3A, %get3A_0] : memref<7x128xf32, #tpu.memory_space<vmem>>, vector<7x128xf32>
    %reduce_sum3A = arith.constant dense<0.000000e+00> : vector<128xf32>
    %reduce_sum3A_2 = vector.multi_reduction <add>, %get3A_1, %reduce_sum3A [0] : vector<7x128xf32> to vector<128xf32>
    %broadcast_in_dim3A = vector.shape_cast %reduce_sum3A_2 : vector<128xf32> to vector<1x128xf32>
    %get3A_3 = arith.constant 0 : index
    %get3A_4 = arith.constant 0 : index
    %get3A_5 = vector.load %arg3[%get3A_3, %get3A_4] : memref<2048x1xf32, #tpu.memory_space<vmem>>, vector<2048x1xf32>
    %get3A_6 = arith.constant 0 : index
    %get3A_7 = arith.constant 0 : index
    %get3A_8 = arith.constant 0 : index
    %get3A_9 = vector.load %arg1[%get3A_6, %get3A_7, %get3A_8] : memref<2x2048x128xf32, #tpu.memory_space<vmem>>, vector<1x2048x128xf32>
    %get3A_10 = vector.shape_cast %get3A_9 : vector<1x2048x128xf32> to vector<2048x128xf32>
    %get3A_11 = arith.constant 1 : index
    %get3A_12 = arith.constant 0 : index
    %get3A_13 = arith.constant 0 : index
    %get3A_14 = vector.load %arg1[%get3A_11, %get3A_12, %get3A_13] : memref<2x2048x128xf32, #tpu.memory_space<vmem>>, vector<1x2048x128xf32>
    %get3A_15 = vector.shape_cast %get3A_14 : vector<1x2048x128xf32> to vector<2048x128xf32>
    %add3A = arith.addf %get3A_10, %get3A_15 : vector<2048x128xf32>
    %get3A_16 = arith.constant 0 : index
    %get3A_17 = arith.constant 0 : index
    %get3A_18 = vector.load %arg2[%get3A_16, %get3A_17] : memref<2048x128xf32, #tpu.memory_space<vmem>>, vector<2048x128xf32>
    %sub3A = arith.subf %add3A, %get3A_18 : vector<2048x128xf32>
    %mul3A = vector.broadcast %get3A_5 : vector<2048x1xf32> to vector<2048x128xf32>
    %mul3A_19 = arith.mulf %mul3A, %sub3A : vector<2048x128xf32>
    %add3A_20 = vector.broadcast %broadcast_in_dim3A : vector<1x128xf32> to vector<2048x128xf32>
    %add3A_21 = arith.addf %mul3A_19, %add3A_20 : vector<2048x128xf32>
    %max3A = arith.constant 0.000000e+00 : f32
    %max3A_22 = vector.broadcast %max3A : f32 to vector<2048x128xf32>
    %max3A_23 = arith.maximumf %add3A_21, %max3A_22 : vector<2048x128xf32>
    %get3A_24 = arith.constant 0 : index
    %get3A_25 = arith.constant 0 : index
    %get3A_26 = vector.load %arg5[%get3A_24, %get3A_25] : memref<128x128xf32, #tpu.memory_space<vmem>>, vector<128x128xf32>
    %dot_general3A = arith.constant dense<0.000000e+00> : vector<2048x128xf32>
    %dot_general3A_27 = tpu.matmul %max3A_23, %get3A_26, %dot_general3A {dimension_numbers = #tpu.dot_dimension_numbers<[1], [0], [0], [1], [0, 0, 1, 1], [], []>, transpose_lhs_hint = false} : vector<2048x128xf32>, vector<128x128xf32>, vector<2048x128xf32> -> vector<2048x128xf32>
    %mul3A_28 = vector.broadcast %get3A_5 : vector<2048x1xf32> to vector<2048x128xf32>
    %mul3A_29 = arith.mulf %dot_general3A_27, %mul3A_28 : vector<2048x128xf32>
    %swap3A = arith.constant 0 : index
    %swap3A_30 = arith.constant 0 : index
    %swap3A_31 = vector.load %arg6[%swap3A, %swap3A_30] : memref<2048x128xf32, #tpu.memory_space<vmem>>, vector<2048x128xf32>
    tpu.vector_store %arg6[%swap3A, %swap3A_30], %mul3A_29 {strides = array<i32>} : memref<2048x128xf32, #tpu.memory_space<vmem>>, vector<2048x128xf32>,
    return
  }
  func.func @transform_0(%arg0: i32) -> (i32, i32, i32) {
    %c0_i32 = arith.constant 0 : i32
    %c0_i32_0 = arith.constant 0 : i32
    %c0_i32_1 = arith.constant 0 : i32
    return %c0_i32, %arg0, %c0_i32_0 : i32, i32, i32
  }
  func.func @transform_1(%arg0: i32) -> (i32, i32) {
    %c0_i32 = arith.constant 0 : i32
    %c0_i32_0 = arith.constant 0 : i32
    return %arg0, %c0_i32 : i32, i32
  }
  func.func @transform_2(%arg0: i32) -> (i32, i32) {
    %c0_i32 = arith.constant 0 : i32
    %c0_i32_0 = arith.constant 0 : i32
    return %arg0, %c0_i32 : i32, i32
  }
  func.func @transform_3(%arg0: i32) -> (i32, i32) {
    %c0_i32 = arith.constant 0 : i32
    %c0_i32_0 = arith.constant 0 : i32
    %c0_i32_1 = arith.constant 0 : i32
    return %c0_i32, %c0_i32_0 : i32, i32
  }
  func.func @transform_4(%arg0: i32) -> (i32, i32) {
    %c0_i32 = arith.constant 0 : i32
    %c0_i32_0 = arith.constant 0 : i32
    %c0_i32_1 = arith.constant 0 : i32
    return %c0_i32, %c0_i32_0 : i32, i32
  }
  func.func @transform_5(%arg0: i32) -> (i32, i32) {
    %c0_i32 = arith.constant 0 : i32
    %c0_i32_0 = arith.constant 0 : i32
    return %arg0, %c0_i32 : i32, i32
  }
}

module attributes {stable_mosaic.version = 14 : i64} {
  func.func @_final_body(%arg0: i32, %arg1: memref<2x2048x128xf32, #tpu.memory_space<vmem>>, %arg2: memref<2048x128xf32, #tpu.memory_space<vmem>>, %arg3: memref<2048x1xf32, #tpu.memory_space<vmem>>, %arg4: memref<1x128xf32, #tpu.memory_space<vmem>>, %arg5: memref<2048x128xf32, #tpu.memory_space<vmem>>) attributes {dimension_semantics = [#tpu.dimension_semantics<arbitrary>], iteration_bounds = array<i64: 5>, scalar_prefetch = 0 : i64, scratch_operands = 0 : i64, tpu.core_type = #tpu.core_type<tc>, window_params = [{transform_indices = @transform_0, window_bounds = array<i64: 2, 2048, 128>}, {transform_indices = @transform_1, window_bounds = array<i64: 2048, 128>}, {transform_indices = @transform_2, window_bounds = array<i64: 2048, 1>}, {pipeline_mode = #tpu.pipeline_mode<synchronous>, transform_indices = @transform_3, window_bounds = array<i64: 1, 128>}, {transform_indices = @transform_4, window_bounds = array<i64: 2048, 128>}]} {
    %get3A = arith.constant 0 : index
    %get3A_0 = arith.constant 0 : index
    %get3A_1 = arith.constant 0 : index
    %get3A_2 = vector.load %arg1[%get3A, %get3A_0, %get3A_1] : memref<2x2048x128xf32, #tpu.memory_space<vmem>>, vector<1x2048x128xf32>
    %get3A_3 = vector.shape_cast %get3A_2 : vector<1x2048x128xf32> to vector<2048x128xf32>
    %get3A_4 = arith.constant 1 : index
    %get3A_5 = arith.constant 0 : index
    %get3A_6 = arith.constant 0 : index
    %get3A_7 = vector.load %arg1[%get3A_4, %get3A_5, %get3A_6] : memref<2x2048x128xf32, #tpu.memory_space<vmem>>, vector<1x2048x128xf32>
    %get3A_8 = vector.shape_cast %get3A_7 : vector<1x2048x128xf32> to vector<2048x128xf32>
    %add3A = arith.addf %get3A_3, %get3A_8 : vector<2048x128xf32>
    %get3A_9 = arith.constant 0 : index
    %get3A_10 = arith.constant 0 : index
    %get3A_11 = vector.load %arg2[%get3A_9, %get3A_10] : memref<2048x128xf32, #tpu.memory_space<vmem>>, vector<2048x128xf32>
    %sub3A = arith.subf %add3A, %get3A_11 : vector<2048x128xf32>
    %get3A_12 = arith.constant 0 : index
    %get3A_13 = arith.constant 0 : index
    %get3A_14 = vector.load %arg3[%get3A_12, %get3A_13] : memref<2048x1xf32, #tpu.memory_space<vmem>>, vector<2048x1xf32>
    %mul3A = vector.broadcast %get3A_14 : vector<2048x1xf32> to vector<2048x128xf32>
    %mul3A_15 = arith.mulf %mul3A, %sub3A : vector<2048x128xf32>
    %get3A_16 = arith.constant 0 : index
    %get3A_17 = arith.constant 0 : index
    %get3A_18 = vector.load %arg4[%get3A_16, %get3A_17] : memref<1x128xf32, #tpu.memory_space<vmem>>, vector<1x128xf32>
    %add3A_19 = vector.broadcast %get3A_18 : vector<1x128xf32> to vector<2048x128xf32>
    %add3A_20 = arith.addf %mul3A_15, %add3A_19 : vector<2048x128xf32>
    %swap3A = arith.constant 0 : index
    %swap3A_21 = arith.constant 0 : index
    %swap3A_22 = vector.load %arg5[%swap3A, %swap3A_21] : memref<2048x128xf32, #tpu.memory_space<vmem>>, vector<2048x128xf32>
    tpu.vector_store %arg5[%swap3A, %swap3A_21], %add3A_20 {strides = array<i32>} : memref<2048x128xf32, #tpu.memory_space<vmem>>, vector<2048x128xf32>,
    return
  }
  func.func @transform_0(%arg0: i32) -> (i32, i32, i32) {
    %c0_i32 = arith.constant 0 : i32
    %c0_i32_0 = arith.constant 0 : i32
    %c0_i32_1 = arith.constant 0 : i32
    return %c0_i32, %arg0, %c0_i32_0 : i32, i32, i32
  }
  func.func @transform_1(%arg0: i32) -> (i32, i32) {
    %c0_i32 = arith.constant 0 : i32
    %c0_i32_0 = arith.constant 0 : i32
    return %arg0, %c0_i32 : i32, i32
  }
  func.func @transform_2(%arg0: i32) -> (i32, i32) {
    %c0_i32 = arith.constant 0 : i32
    %c0_i32_0 = arith.constant 0 : i32
    return %arg0, %c0_i32 : i32, i32
  }
  func.func @transform_3(%arg0: i32) -> (i32, i32) {
    %c0_i32 = arith.constant 0 : i32
    %c0_i32_0 = arith.constant 0 : i32
    %c0_i32_1 = arith.constant 0 : i32
    return %c0_i32, %c0_i32_0 : i32, i32
  }
  func.func @transform_4(%arg0: i32) -> (i32, i32) {
    %c0_i32 = arith.constant 0 : i32
    %c0_i32_0 = arith.constant 0 : i32
    return %arg0, %c0_i32 : i32, i32
  }
}

</mosaic_0001>

<sc_bundles>
// kernel: kernel.11.cloned.1.call-start
scs
__scs_entry_jumppad:
0x0: {  	(pc) =	sbr.rel $0x88, $3  }
0x1: {  	(tag) =	ssettag $0x0;
	lr =	simm.s32 $0x1  }
0x2: {  	[smem:$0x3F8F] =	sst lr;
	_ =	strace $0xD0000000  }
0x3: {  	_ = 	snop  }
0x4: {  	_ = 	snop  }
0x5: {  	_ = 	snop  }
0x6: {  	_ = 	snop  }
0x7: {  	_ = 	snop  }
__scs_overlays_trampoline_lowered:
0x8: {  	[smem:$0x3F9E] =	sst s0  }
0x9: {  	[smem:$0x3F9F] =	sst s1  }
0xa: {  	[smem:$0x3FA0] =	sst s2  }
0xb: {  	[smem:$0x3FA1] =	sst s3  }
0xc: {  	[smem:$0x3FA2] =	sst s4  }
0xd: {  	[smem:$0x3FA3] =	sst s5  }
0xe: {  	[smem:$0x3FA4] =	sst s6  }
0xf: {  	[smem:$0x3FA5] =	sst s7  }
0x10: {  	[smem:$0x3FA6] =	sst s8  }
0x11: {  	[smem:$0x3FA7] =	sst s9;
	s0 =	simm.s32 @!p0 $0x0  }
0x12: {  	s1 =	sld [smem:$0x3F8D];
	s0 =	simm.s32 @p0 $0x1  }
0x13: {  	[smem:$0x3FA8] =	sst s0;
	s0 =	simm.s32 @!p1 $0x0  }
0x14: {  	s2 =	sld [smem:$0x3F8C];
	s0 =	simm.s32 @p1 $0x1  }
0x15: {  	[smem:$0x3FA9] =	sst s0;
	s0 =	simm.s32 @!p2 $0x0  }
0x16: {  	s3 =	sld [smem:$0x3FDB];
	s0 =	simm.s32 @p2 $0x1  }
0x17: {  	s4 =	simm.s32 $0x1BF5;
	[smem:$0x3FAB] =	sst s0  }
0x18: {  	s0 =	sld [smem:$0x3F8E];
	_ =	swait.ge [sflag:s4], $0x0  }
0x19: {  	s7 =	sld [smem:$0x3F8F]  }
0x1a: {  	s8 =	sadd.s32 $0xFFFFE003, lr  }
0x1b: {  	s9 =	sadd.s32 $0xFFFFFEF7, lr;
	s5 =	simm.s32 $0xFFFFFFFF;
	p2 =	slt.u32 s8, $0xFFFFF086  }
0x1c: {  	p1 =	slt.u32 s9, $0xF7A;
	s5 =	simm.s32 @!p2 $0x0  }
0x1d: {  	s5 =	simm.s32 @p1 $0x1;
	p0 =	seq.s32 s7, s2  }
0x1e: {  	s7 =	smul.u32 @!p0 $0xF7A, s2;
	p2 =	seq.s32 @!p0 s5, $0x0  }
0x1f: {  	s9 =	smul.u32 $0xF7A, s1;
	s8 =	simm.s32 @!p0 $0x1BF5;
	p2 =	por !p2, p0  }
0x20: {  	[sflag:s8] =	ssyncset.s32 @!p0 $0xFFFFF086;
	s6 =	sadd.s32 @!p0 s3, s7;
	s7 =	simm.s32 @!p0 $0x108  }
0x21: {  	s3 =	sadd.s32 s3, s9;
	s6 =	sadd.s32 @!p0 $0x88, s6;
	s7 =	simm.s32 @p2 $0x1082  }
0x22: {  	[simem:s7], [sflag:s8] =	dma.local @!p0 [hbm:s6], $0xF7A  }
0x23: {  	s9 =	sor.u32 $0xD0000000, s2;
	s6 =	simm.s32 $0x108;
	_ =	swait.ge @!p0 [sflag:s8], $0x0  }
0x24: {  	s3 =	sadd.s32 $0x88, s3;
	s6 =	simm.s32 @!p1 $0x1082;
	[sflag:s4] =	ssyncset.s32 $0xFFFFF086  }
0x25: {  	[simem:s6], [sflag:s4] =	dma.local [hbm:s3], $0xF7A  }
0x26: {  	[smem:$0x3F8F] =	sst s1;
	(tag) =	ssettag s2;
	_ =	strace s9  }
0x27: {  	s1 =	sld [smem:$0x3F9F]  }
0x28: {  	s2 =	sld [smem:$0x3FA0]  }
0x29: {  	s4 =	sld [smem:$0x3FA2]  }
0x2a: {  	p0 =	seq.s32 s5, $0x0;
	s5 =	sld [smem:$0x3FA3]  }
0x2b: {  	s6 =	sld [smem:$0x3FA4]  }
0x2c: {  	s7 =	sld [smem:$0x3FA5]  }
0x2d: {  	s3 =	simm.s32 $0x108;
	s8 =	sld [smem:$0x3FA6]  }
0x2e: {  	s3 =	simm.s32 @!p0 $0x1082;
	s9 =	sld [smem:$0x3FA7]  }
0x2f: {  	lr =	sadd.s32 s0, s3;
	s0 =	sld [smem:$0x3F9E]  }
0x30: {  	s3 =	sld [smem:$0x3FA1]  }
0x31: {  	[smem:$0x3FAA] =	sst s10  }
0x32: {  	s10 =	sld [smem:$0x3FA8];
	_ =	sdelay $0x3  }
0x33: {  	p0 =	seq.s32 s10, $0x1;
	s10 =	sld [smem:$0x3FAA];
	_ =	sdelay $0x3  }
0x34: {  	[smem:$0x3FAA] =	sst s10  }
0x35: {  	s10 =	sld [smem:$0x3FA9];
	_ =	sdelay $0x3  }
0x36: {  	p1 =	seq.s32 s10, $0x1;
	s10 =	sld [smem:$0x3FAA];
	_ =	sdelay $0x3  }
0x37: {  	[smem:$0x3FAA] =	sst s10  }
0x38: {  	s10 =	sld [smem:$0x3FAB]  }
0x39: {  	_ = 	snop;
	(pc) =	sbr.ind lr, $3  }
0x3a: {  	_ = 	snop  }
0x3b: {  	_ = 	snop  }
0x3c: {  	p2 =	seq.s32 s10, $0x1;
	s10 =	sld [smem:$0x3FAA]  }
0x3d: {  	_ =	shalt  }
0x3e: {  	_ =	shalt  }
0x3f: {  	_ =	shalt  }
0x40: {  	_ =	shalt  }
0x41: {  	_ =	shalt  }
0x42: {  	_ =	shalt  }
0x43: {  	_ =	shalt  }
0x44: {  	_ =	shalt  }
0x45: {  	_ =	shalt  }
0x46: {  	_ =	shalt  }
0x47: {  	_ =	shalt  }
0x48: {  	_ =	shalt  }
0x49: {  	_ =	shalt  }
0x4a: {  	_ =	shalt  }
0x4b: {  	_ =	shalt  }
0x4c: {  	_ =	shalt  }
0x4d: {  	_ =	shalt  }
0x4e: {  	_ =	shalt  }
0x4f: {  	_ =	shalt  }
0x50: {  	_ =	shalt  }
0x51: {  	_ =	shalt  }
0x52: {  	_ =	shalt  }
0x53: {  	_ =	shalt  }
0x54: {  	_ =	shalt  }
0x55: {  	_ =	shalt  }
0x56: {  	_ =	shalt  }
0x57: {  	_ =	shalt  }
0x58: {  	_ =	shalt  }
0x59: {  	_ =	shalt  }
0x5a: {  	_ =	shalt  }
0x5b: {  	_ =	shalt  }
0x5c: {  	_ =	shalt  }
0x5d: {  	_ =	shalt  }
0x5e: {  	_ =	shalt  }
0x5f: {  	_ =	shalt  }
0x60: {  	_ =	shalt  }
0x61: {  	_ =	shalt  }
0x62: {  	_ =	shalt  }
0x63: {  	_ =	shalt  }
0x64: {  	_ =	shalt  }
0x65: {  	_ =	shalt  }
0x66: {  	_ =	shalt  }
0x67: {  	_ =	shalt  }
0x68: {  	_ =	shalt  }
0x69: {  	_ =	shalt  }
0x6a: {  	_ =	shalt  }
0x6b: {  	_ =	shalt  }
0x6c: {  	_ =	shalt  }
0x6d: {  	_ =	shalt  }
0x6e: {  	_ =	shalt  }
0x6f: {  	_ =	shalt  }
0x70: {  	_ =	shalt  }
0x71: {  	_ =	shalt  }
0x72: {  	_ =	shalt  }
0x73: {  	_ =	shalt  }
0x74: {  	_ =	shalt  }
0x75: {  	_ =	shalt  }
0x76: {  	_ =	shalt  }
0x77: {  	_ =	shalt  }
0x78: {  	_ =	shalt  }
0x79: {  	_ =	shalt  }
0x7a: {  	_ =	shalt  }
0x7b: {  	_ =	shalt  }
0x7c: {  	_ =	shalt  }
0x7d: {  	_ =	shalt  }
0x7e: {  	_ =	shalt  }
0x7f: {  	_ =	shalt  }
0x80: {  	_ =	shalt  }
0x81: {  	_ =	shalt  }
0x82: {  	_ =	shalt  }
0x83: {  	_ =	shalt  }
0x84: {  	_ =	shalt  }
0x85: {  	_ =	shalt  }
0x86: {  	_ =	shalt  }
0x87: {  	_ =	shalt  }
.Lfunc_end0:
.L_simem_size_0:
called_computation.1_lowered:
.L_overlay_start_0:
0x88: {  	s2 =	sld [smem:$0x3FD9]  }
0x89: {  	s3 =	sld [smem:$0x3FFE];
	_ =	sdelay $0x1  }
0x8a: {  	s1 =	srdreg.scid  }
0x8b: {  	s0 =	sand.u32 $0x1, s1  }
0x8c: {  	s17 =	sshll.u32 s0, $0xA;
	s2 =	sadd.s32 s3, s2  }
0x8d: {  	s2 =	sadd.s32 s2, s17  }
0x8e: {  	[smem:$0x3FB6] =	sst s2  }
0x8f: {  	_ = 	snop  }
0x90: {  	s2 =	sld [smem:$0x3FD0];
	(tm) =	ssettm $0x1  }
0x91: {  	s18 =	sld [smem:$0x3FFB];
	_ =	sdelay $0x3  }
0x92: {  	_ =	strace s18  }
0x93: {  	s3 =	sld [smem:$0x3FFC];
	_ =	sdelay $0x3  }
0x94: {  	_ =	strace s3  }
0x95: {  	s3 =	sld [smem:$0x3FFD];
	_ =	sdelay $0x3  }
0x96: {  	_ =	strace s3  }
0x97: {  	_ =	strace $0x8FFFFFFF  }
0x98: {  	s19 =	sld [smem:$0x3FDB];
	_ =	sdelay $0x1  }
0x99: {  	s4 =	simm.s32 $_scs_section_size  }
0x9a: {  	s5 =	simm.s32 $_size__tile_overlayer_lowered;
	s6 =	simm.s32 $_tile_overlayer_lowered  }
0x9b: {  	s22 =	simm.s32 $0x1BFF;
	s21 =	sshll.u32 s6, $0x1;
	s3 =	sadd.s32 s4, s19  }
0x9c: {  	s7 =	simm.s32 $0x0;
	s20 =	sshll.u32 s5, $0x1;
	s5 =	sadd.s32 s21, s3  }
0x9d: {  	[timem:s7], [sflag:s22] =	dma.local [hbm:s5], s20  }
0x9e: {  	_ =	swait.ge [sflag:s22], s20  }
0x9f: {  	s4 =	ssub.s32 $0x0, s20;
	[sflag:s22] =	ssyncset.done $0x0  }
0xa0: {  	[sflag:s22] =	ssyncadd.s32 s4;
	_ =	sdelay $0x1  }
0xa1: {  	s23 =	simm.s32 $0x1B8B  }
0xa2: {  	_ =	swait.ge [sflag:s23], $0x1  }
0xa3: {  	[sflag:s23] =	ssyncset.done $0x0  }
0xa4: {  	s25 =	simm.s32 $0x1B8E;
	s24 =	sld [smem:$0x3FFE];
	[sflag:s23] =	ssyncadd.s32 $0xFFFFFFFF  }
0xa5: {  	s26 =	simm.s32 $execute0_lowered;
	[smem:$0x3FD2] =	sst s25  }
0xa6: {  	s5 =	sshll.u32 s26, $0x1;
	_ =	strace $0x80000049;
	[dreg:$0x1] =	wrdreg $0xFFFFFFFF  }
0xa7: {  	s28 =	simm.s32 $_size_execute0_lowered;
	s3 =	sadd.s32 s3, s5;
	[dreg:$0x0] =	wrdreg $0x0  }
0xa8: {  	s5 =	sshll.u32 s28, $0x1;
	[dreg:$0x2] =	wrdreg s3  }
0xa9: {  	[dreg:$0x3] =	wrdreg s5  }
0xaa: {  	[dreg:$0x4] =	wrdreg $0xC0  }
0xab: {  	_ =	task [dreg:s7], $0x5FFFF  }
0xac: {  	[dreg:$0x1] =	wrdreg $0xFFFFFFFF  }
0xad: {  	[dreg:$0x0] =	wrdreg $0x60  }
0xae: {  	[dreg:$0x2] =	wrdreg s24  }
0xaf: {  	[dreg:$0x3] =	wrdreg s2  }
0xb0: {  	[dreg:$0x4] =	wrdreg $0x90000  }
0xb1: {  	[dreg:$0x5] =	wrdreg $0x9  }
0xb2: {  	_ =	task.clear_ibuf [dreg:s7], $0x6FFFF;
	_ =	strace $0x90000049  }
0xb3: {  	s29 =	simm.s32 $0x9;
	_ =	strace $0x8000004B  }
0xb4: {  	_ =	swait.ge [sflag:s29], $0x1  }
0xb5: {  	[sflag:s29] =	ssyncadd.s32 $0xFFFFFFFF  }
0xb6: {  	_ =	strace $0x9000004B  }
0xb7: {  	_ =	sfence  }
0xb8: {  	s30 =	sld [smem:$0x0];
	_ =	sdelay $0x2  }
0xb9: {  	s31 =	sshll.u32 s1, $0xD;
	s1 =	sshrl.u32 s1, $0x2  }
0xba: {  	s3 =	sand.u32 $0x4000, s31;
	s1 =	sadd.s32 s1, s30  }
0xbb: {  	s0 =	sor.u32 s3, s0;
	s1 =	sshll.u32 s1, $0x11  }
0xbc: {  	s0 =	sor.u32 s1, s0  }
0xbd: {  	s0 =	sadd.s32 $0x8F2B, s0  }
0xbe: {  	[sflag:s0] =	ssyncadd.remote.s32 $0x1  }
0xbf: {  	_ =	sfence.sel $0xFFFF  }
0xc0: {  	[dreg:$0x0] =	wrdreg $0xFFFFFFFF;
	(pc) =	sbr.abs _section_cstart, $3  }
0xc1: {  	[dreg:$0x1] =	wrdreg $0xFFFFFFFF  }
0xc2: {  	_ =	task.clear_ibuf [dreg:s7], $0x2FFFF;
	_ =	strace $0x9FFFFFFF  }
0xc3: {  	(tm) =	ssettm $0x7FFFFFFF  }
tec
execute0_lowered:
.L_overlay_start_1:
0x0: {  	(tag) =	ssettag $0x1  }
0x1: {  	s5 =	rddreg [dreg:$0x0]  }
0x2: {  	s8 =	rddreg [dreg:$0x1]  }
0x3: {  	s2 =	rddreg [dreg:$0x2];
	s3 =	srdreg.scid  }
0x4: {  	s0 =	rddreg [dreg:$0x3];
	s1 =	stileid.u32;
	s14 =	simm.s32 $0x80  }
0x5: {  	s15 =	simm.s32 $0x5000;
	s16 =	simm.s32 $0x0;
	s7 =	smul.u32 $0x14000, s1  }
0x6: {  	s6 =	sand.u32 $0x1, s3;
	s3 =	simm.s32 $0x0;
	s11 =	smul.u32 $0x50000, s1  }
0x7: {  	s31 =	sshll.u32 s1, $0x6;
	s4 =	sshll.u32 s6, $0x4;
	[smem:$0x7FF] =	sst s3  }
0x8: {  	s10 =	smul.u32 $0x140000, s6;
	s6 =	ssub.s32 $0x2, s6;
	s9 =	sor.u32 s1, s4  }
0x9: {  	_ =	strace $0x8000004A;
	s4 =	sadd.s32 $0x3C00, s5;
	s13 =	sshrl.u32 s6, $0x1  }
0xa: {  	s29 =	sshrl.u32 s11, $0x2;
	s30 =	sshrl.u32 s7, $0x3;
	s9 =	smul.u32 $0x500, s9  }
0xb: {  	s10 =	sadd.s32 s7, s10;
	s13 =	ssub.s32 s6, s13;
	s11 =	sadd.s32 s29, s2  }
0xc: {  	s6 =	sor.u32 $0x1C01, s31;
	s10 =	sshrl.u32 s10, $0x3;
	s11 =	sshrl.u32 s11, $0x3  }
0xd: {  	s12 =	sadd.s32 s9, s5;
	s10 =	sadd.s32 s10, s5;
	s5 =	sadd.s32 s4, s30  }
0xe: {  	s8 =	sadd.s32 s8, s9;
	s7 =	sadd.s32 $0x7C400, s12;
	s9 =	sadd.s32 $0x2BC00, s10  }
0xf: {  	s10 =	smax.u32 s13, $0x1;
	s12 =	simm.s32 $0x1;
	s13 =	simm.s32 $0x2800  }
.LBB2_1:
0x10: {  	[spmem:s11], [sflag:s6] =	dma.local [hbm:s5], $0x2800  }
0x11: {  	_ =	swait.ge [sflag:s12], $0x2800  }
0x12: {  	[sflag:s12] =	ssyncset.done $0x0  }
0x13: {  	[sflag:s12] =	ssyncadd.s32 $0xFFFFD800  }
0x14: {  	[tilespmem:s3], [sflag:$0x1] =	stream.linear.gather [hbm4b:s7+s3], $0x2780, $0x38;
	[tilespmem:$0x1D000] =	vst v63  }
0x15: {  	_ =	swait.ge [sflag:s12], $0x2780  }
0x16: {  	[sflag:s12] =	ssyncset.done $0x0  }
0x17: {  	[sflag:s12] =	ssyncadd.s32 $0xFFFFD880  }
0x18: {  	[tilespmem:s13], [sflag:$0x1] =	stream.linear.gather [hbm4b:s8+s3], $0x2780, $0x38;
	[tilespmem:$0x1D000] =	vst v63  }
0x19: {  	_ =	swait.ge [sflag:s12], $0x2780  }
0x1a: {  	[sflag:s12] =	ssyncset.done $0x0  }
0x1b: {  	[sflag:s12] =	ssyncadd.s32 $0xFFFFD880  }
0x1c: {  	s17 =	simm.s32 $0x0;
	[bflag:$0x0] =	sbarrier.arrive $0xFFFF  }
0x1d: {  	[tilespmem:s15], [sflag:$0x1] =	stream.indirect.gather [hbm4b:s4+s14], $0x80, s17, s14, $0xb8;
	[tilespmem:$0x1D000] =	vst v63  }
0x1e: {  	_ =	swait.ge [sflag:s12], $0x4000  }
0x1f: {  	[sflag:s12] =	ssyncset.done $0x0  }
0x20: {  	s31 =	simm.s32 $0x2800;
	[sflag:s12] =	ssyncadd.s32 $0xFFFFC000  }
0x21: {  	[spmem:s2] =	stream.indirect.scatter.add.f32 [tilespmem:s15], [sflag:$0x1], $0x80, s31, s14, $0xb8;
	[tilespmem:$0x1D000] =	vst v63  }
0x22: {  	_ =	swait.ge [sflag:s12], $0x4000  }
0x23: {  	s18 =	simm.s32 $0x400;
	s17 =	simm.s32 $0x200;
	[sflag:s12] =	ssyncset.done $0x0  }
.LBB2_2:
0x24: {  	s19 =	sshra.s32 s17, $0x2  }
0x25: {  	[sflag:s12] =	ssyncadd.s32 $0xFFFFC000;
	s17 =	smov.u32 s18;
	s20 =	sadd.s32 $0x200, s18  }
0x26: {  	[tilespmem:s15], [sflag:$0x1] =	stream.indirect.gather [hbm4b:s4+s14], $0x80, s19, s14, $0xb8;
	[tilespmem:$0x1D000] =	vst v63  }
0x27: {  	p0 =	sne.s32 s18, $0x9C00;
	_ =	swait.ge [sflag:s12], $0x4000  }
.Ltmp0:
0x28: {  	[sflag:s12] =	ssyncset.done $0x0;
	(pc) =	sbr.rel @p0 .LBB2_2-.Ltmp0, $4  }
0x29: {  	s18 =	sadd.s32 $0x2800, s19;
	[sflag:s12] =	ssyncadd.s32 $0xFFFFC000  }
0x2a: {  	[spmem:s2] =	stream.indirect.scatter.add.f32 [tilespmem:s15], [sflag:$0x1], $0x80, s18, s14, $0xb8;
	[tilespmem:$0x1D000] =	vst v63  }
0x2b: {  	_ =	swait.ge [sflag:s12], $0x4000  }
0x2c: {  	s18 =	smov.u32 s20;
	[sflag:s12] =	ssyncset.done $0x0  }
0x2d: {  	s17 =	sshra.s32 s17, $0x2;
	[sflag:s12] =	ssyncadd.s32 $0xFFFFC000  }
0x2e: {  	[tilespmem:s15], [sflag:$0x1] =	stream.indirect.gather [hbm4b:s4+s14], $0x80, s17, s14, $0xb8;
	[tilespmem:$0x1D000] =	vst v63  }
0x2f: {  	_ =	swait.ge [sflag:s12], $0x4000  }
0x30: {  	[sflag:s12] =	ssyncset.done $0x0  }
0x31: {  	s17 =	sadd.s32 $0x2800, s17;
	[sflag:s12] =	ssyncadd.s32 $0xFFFFC000  }
0x32: {  	[spmem:s2] =	stream.indirect.scatter.add.f32 [tilespmem:s15], [sflag:$0x1], $0x80, s17, s14, $0xb8;
	[tilespmem:$0x1D000] =	vst v63  }
0x33: {  	_ =	swait.ge [sflag:s12], $0x4000  }
0x34: {  	s16 =	sadd.s32 $0x1, s16;
	[sflag:s12] =	ssyncset.done $0x0  }
0x35: {  	p0 =	sne.s32 s16, s10;
	[sflag:s12] =	ssyncadd.s32 $0xFFFFC000  }
.Ltmp1:
0x36: {  	[bflag:$0x0] =	sbarrier.arrive $0xFFFF;
	(pc) =	sbr.rel @p0 .LBB2_1-.Ltmp1, $4  }
0x37: {  	[hbm:s9], [sflag:s6] =	dma.local [spmem:s11], $0x2800  }
0x38: {  	_ =	swait.ge [sflag:s12], $0x2800  }
0x39: {  	[sflag:s12] =	ssyncset.done $0x0  }
0x3a: {  	[sflag:s12] =	ssyncadd.s32 $0xFFFFD800  }
0x3b: {  	_ =	sfence.sel $0x180000  }
0x3c: {  	[bflag:$0x0] =	sbarrier.arrive $0xFFFF  }
0x3d: {  	p0 =	sne.s32 s1, $0x0;
	_ =	strace $0x9000004A  }
0x3e: {  	s0 =	sadd.s32 @!p0 $0x100000, s0;
	[bflag:$0x2] =	sbarrier.arrive $0xFFFF  }
0x3f: {  	[sflag:s0] =	ssyncadd.tile.s32 @!p0 $0x1;
	_ =	shalt  }
.Lfunc_end2:
_tile_overlayer_lowered:
.L_overlay_start_2:
0x40: {  	(tag) =	ssettag $0x2  }
0x41: {  	s0 =	rddreg [dreg:$0x0];
	s2 =	stileid.u32  }
0x42: {  	s1 =	rddreg [dreg:$0x1];
	p0 =	sne.s32 s2, $0x0  }
0x43: {  	s3 =	rddreg [dreg:$0x2];
	[bflag:$0x3] =	sbarrier.arrive $0xFFFF;
	s2 =	simm.s32 @!p0 $0x1C01  }
0x44: {  	[timem:s3], [sflag:s2] =	dma.local @!p0 [hbm:s0], s1  }
0x45: {  	s0 =	simm.s32 @!p0 $0x1  }
0x46: {  	_ =	swait.ge @!p0 [sflag:s0], s1  }
0x47: {  	s1 =	ssub.s32 @!p0 $0x0, s1;
	[sflag:s0] =	ssyncset.done @!p0 $0x0  }
0x48: {  	[sflag:s0] =	ssyncadd.s32 @!p0 s1  }
0x49: {  	[bflag:$0x3] =	sbarrier.arrive $0xFFFF  }
0x4a: {  	_ =	shalt  }

// kernel: kernel.14.cloned.1.call-start
scs
__scs_entry_jumppad:
0x0: {  	(pc) =	sbr.rel $0x88, $3  }
0x1: {  	(tag) =	ssettag $0x0;
	lr =	simm.s32 $0x1  }
0x2: {  	[smem:$0x3F8F] =	sst lr;
	_ =	strace $0xD0000000  }
0x3: {  	_ = 	snop  }
0x4: {  	_ = 	snop  }
0x5: {  	_ = 	snop  }
0x6: {  	_ = 	snop  }
0x7: {  	_ = 	snop  }
__scs_overlays_trampoline_lowered:
0x8: {  	[smem:$0x3F9E] =	sst s0  }
0x9: {  	[smem:$0x3F9F] =	sst s1  }
0xa: {  	[smem:$0x3FA0] =	sst s2  }
0xb: {  	[smem:$0x3FA1] =	sst s3  }
0xc: {  	[smem:$0x3FA2] =	sst s4  }
0xd: {  	[smem:$0x3FA3] =	sst s5  }
0xe: {  	[smem:$0x3FA4] =	sst s6  }
0xf: {  	[smem:$0x3FA5] =	sst s7  }
0x10: {  	[smem:$0x3FA6] =	sst s8  }
0x11: {  	[smem:$0x3FA7] =	sst s9;
	s0 =	simm.s32 @!p0 $0x0  }
0x12: {  	s1 =	sld [smem:$0x3F8D];
	s0 =	simm.s32 @p0 $0x1  }
0x13: {  	[smem:$0x3FA8] =	sst s0;
	s0 =	simm.s32 @!p1 $0x0  }
0x14: {  	s2 =	sld [smem:$0x3F8C];
	s0 =	simm.s32 @p1 $0x1  }
0x15: {  	[smem:$0x3FA9] =	sst s0;
	s0 =	simm.s32 @!p2 $0x0  }
0x16: {  	s3 =	sld [smem:$0x3FDB];
	s0 =	simm.s32 @p2 $0x1  }
0x17: {  	s4 =	simm.s32 $0x1BF5;
	[smem:$0x3FAB] =	sst s0  }
0x18: {  	s0 =	sld [smem:$0x3F8E];
	_ =	swait.ge [sflag:s4], $0x0  }
0x19: {  	s7 =	sld [smem:$0x3F8F]  }
0x1a: {  	s8 =	sadd.s32 $0xFFFFE003, lr  }
0x1b: {  	s9 =	sadd.s32 $0xFFFFFEF7, lr;
	s5 =	simm.s32 $0xFFFFFFFF;
	p2 =	slt.u32 s8, $0xFFFFF086  }
0x1c: {  	p1 =	slt.u32 s9, $0xF7A;
	s5 =	simm.s32 @!p2 $0x0  }
0x1d: {  	s5 =	simm.s32 @p1 $0x1;
	p0 =	seq.s32 s7, s2  }
0x1e: {  	s7 =	smul.u32 @!p0 $0xF7A, s2;
	p2 =	seq.s32 @!p0 s5, $0x0  }
0x1f: {  	s9 =	smul.u32 $0xF7A, s1;
	s8 =	simm.s32 @!p0 $0x1BF5;
	p2 =	por !p2, p0  }
0x20: {  	[sflag:s8] =	ssyncset.s32 @!p0 $0xFFFFF086;
	s6 =	sadd.s32 @!p0 s3, s7;
	s7 =	simm.s32 @!p0 $0x108  }
0x21: {  	s3 =	sadd.s32 s3, s9;
	s6 =	sadd.s32 @!p0 $0x88, s6;
	s7 =	simm.s32 @p2 $0x1082  }
0x22: {  	[simem:s7], [sflag:s8] =	dma.local @!p0 [hbm:s6], $0xF7A  }
0x23: {  	s9 =	sor.u32 $0xD0000000, s2;
	s6 =	simm.s32 $0x108;
	_ =	swait.ge @!p0 [sflag:s8], $0x0  }
0x24: {  	s3 =	sadd.s32 $0x88, s3;
	s6 =	simm.s32 @!p1 $0x1082;
	[sflag:s4] =	ssyncset.s32 $0xFFFFF086  }
0x25: {  	[simem:s6], [sflag:s4] =	dma.local [hbm:s3], $0xF7A  }
0x26: {  	[smem:$0x3F8F] =	sst s1;
	(tag) =	ssettag s2;
	_ =	strace s9  }
0x27: {  	s1 =	sld [smem:$0x3F9F]  }
0x28: {  	s2 =	sld [smem:$0x3FA0]  }
0x29: {  	s4 =	sld [smem:$0x3FA2]  }
0x2a: {  	p0 =	seq.s32 s5, $0x0;
	s5 =	sld [smem:$0x3FA3]  }
0x2b: {  	s6 =	sld [smem:$0x3FA4]  }
0x2c: {  	s7 =	sld [smem:$0x3FA5]  }
0x2d: {  	s3 =	simm.s32 $0x108;
	s8 =	sld [smem:$0x3FA6]  }
0x2e: {  	s3 =	simm.s32 @!p0 $0x1082;
	s9 =	sld [smem:$0x3FA7]  }
0x2f: {  	lr =	sadd.s32 s0, s3;
	s0 =	sld [smem:$0x3F9E]  }
0x30: {  	s3 =	sld [smem:$0x3FA1]  }
0x31: {  	[smem:$0x3FAA] =	sst s10  }
0x32: {  	s10 =	sld [smem:$0x3FA8];
	_ =	sdelay $0x3  }
0x33: {  	p0 =	seq.s32 s10, $0x1;
	s10 =	sld [smem:$0x3FAA];
	_ =	sdelay $0x3  }
0x34: {  	[smem:$0x3FAA] =	sst s10  }
0x35: {  	s10 =	sld [smem:$0x3FA9];
	_ =	sdelay $0x3  }
0x36: {  	p1 =	seq.s32 s10, $0x1;
	s10 =	sld [smem:$0x3FAA];
	_ =	sdelay $0x3  }
0x37: {  	[smem:$0x3FAA] =	sst s10  }
0x38: {  	s10 =	sld [smem:$0x3FAB]  }
0x39: {  	_ = 	snop;
	(pc) =	sbr.ind lr, $3  }
0x3a: {  	_ = 	snop  }
0x3b: {  	_ = 	snop  }
0x3c: {  	p2 =	seq.s32 s10, $0x1;
	s10 =	sld [smem:$0x3FAA]  }
0x3d: {  	_ =	shalt  }
0x3e: {  	_ =	shalt  }
0x3f: {  	_ =	shalt  }
0x40: {  	_ =	shalt  }
0x41: {  	_ =	shalt  }
0x42: {  	_ =	shalt  }
0x43: {  	_ =	shalt  }
0x44: {  	_ =	shalt  }
0x45: {  	_ =	shalt  }
0x46: {  	_ =	shalt  }
0x47: {  	_ =	shalt  }
0x48: {  	_ =	shalt  }
0x49: {  	_ =	shalt  }
0x4a: {  	_ =	shalt  }
0x4b: {  	_ =	shalt  }
0x4c: {  	_ =	shalt  }
0x4d: {  	_ =	shalt  }
0x4e: {  	_ =	shalt  }
0x4f: {  	_ =	shalt  }
0x50: {  	_ =	shalt  }
0x51: {  	_ =	shalt  }
0x52: {  	_ =	shalt  }
0x53: {  	_ =	shalt  }
0x54: {  	_ =	shalt  }
0x55: {  	_ =	shalt  }
0x56: {  	_ =	shalt  }
0x57: {  	_ =	shalt  }
0x58: {  	_ =	shalt  }
0x59: {  	_ =	shalt  }
0x5a: {  	_ =	shalt  }
0x5b: {  	_ =	shalt  }
0x5c: {  	_ =	shalt  }
0x5d: {  	_ =	shalt  }
0x5e: {  	_ =	shalt  }
0x5f: {  	_ =	shalt  }
0x60: {  	_ =	shalt  }
0x61: {  	_ =	shalt  }
0x62: {  	_ =	shalt  }
0x63: {  	_ =	shalt  }
0x64: {  	_ =	shalt  }
0x65: {  	_ =	shalt  }
0x66: {  	_ =	shalt  }
0x67: {  	_ =	shalt  }
0x68: {  	_ =	shalt  }
0x69: {  	_ =	shalt  }
0x6a: {  	_ =	shalt  }
0x6b: {  	_ =	shalt  }
0x6c: {  	_ =	shalt  }
0x6d: {  	_ =	shalt  }
0x6e: {  	_ =	shalt  }
0x6f: {  	_ =	shalt  }
0x70: {  	_ =	shalt  }
0x71: {  	_ =	shalt  }
0x72: {  	_ =	shalt  }
0x73: {  	_ =	shalt  }
0x74: {  	_ =	shalt  }
0x75: {  	_ =	shalt  }
0x76: {  	_ =	shalt  }
0x77: {  	_ =	shalt  }
0x78: {  	_ =	shalt  }
0x79: {  	_ =	shalt  }
0x7a: {  	_ =	shalt  }
0x7b: {  	_ =	shalt  }
0x7c: {  	_ =	shalt  }
0x7d: {  	_ =	shalt  }
0x7e: {  	_ =	shalt  }
0x7f: {  	_ =	shalt  }
0x80: {  	_ =	shalt  }
0x81: {  	_ =	shalt  }
0x82: {  	_ =	shalt  }
0x83: {  	_ =	shalt  }
0x84: {  	_ =	shalt  }
0x85: {  	_ =	shalt  }
0x86: {  	_ =	shalt  }
0x87: {  	_ =	shalt  }
.Lfunc_end0:
.L_simem_size_0:
called_computation.2_lowered:
.L_overlay_start_0:
0x88: {  	s2 =	sld [smem:$0x3FD9]  }
0x89: {  	s3 =	sld [smem:$0x3FFE];
	_ =	sdelay $0x1  }
0x8a: {  	s1 =	srdreg.scid  }
0x8b: {  	s0 =	sand.u32 $0x1, s1  }
0x8c: {  	s17 =	sshll.u32 s0, $0xA;
	s2 =	sadd.s32 s3, s2  }
0x8d: {  	s2 =	sadd.s32 s2, s17  }
0x8e: {  	[smem:$0x3FB6] =	sst s2  }
0x8f: {  	_ = 	snop  }
0x90: {  	s2 =	sld [smem:$0x3FD0];
	(tm) =	ssettm $0x1  }
0x91: {  	s18 =	sld [smem:$0x3FFB];
	_ =	sdelay $0x3  }
0x92: {  	_ =	strace s18  }
0x93: {  	s3 =	sld [smem:$0x3FFC];
	_ =	sdelay $0x3  }
0x94: {  	_ =	strace s3  }
0x95: {  	s3 =	sld [smem:$0x3FFD];
	_ =	sdelay $0x3  }
0x96: {  	_ =	strace s3  }
0x97: {  	_ =	strace $0x8FFFFFFF  }
0x98: {  	s19 =	sld [smem:$0x3FDB];
	_ =	sdelay $0x1  }
0x99: {  	s4 =	simm.s32 $_scs_section_size  }
0x9a: {  	s5 =	simm.s32 $_size__tile_overlayer_lowered;
	s6 =	simm.s32 $_tile_overlayer_lowered  }
0x9b: {  	s22 =	simm.s32 $0x1BFF;
	s21 =	sshll.u32 s6, $0x1;
	s3 =	sadd.s32 s4, s19  }
0x9c: {  	s7 =	simm.s32 $0x0;
	s20 =	sshll.u32 s5, $0x1;
	s5 =	sadd.s32 s21, s3  }
0x9d: {  	[timem:s7], [sflag:s22] =	dma.local [hbm:s5], s20  }
0x9e: {  	_ =	swait.ge [sflag:s22], s20  }
0x9f: {  	s4 =	ssub.s32 $0x0, s20;
	[sflag:s22] =	ssyncset.done $0x0  }
0xa0: {  	[sflag:s22] =	ssyncadd.s32 s4;
	_ =	sdelay $0x1  }
0xa1: {  	s23 =	simm.s32 $0x1B8B  }
0xa2: {  	_ =	swait.ge [sflag:s23], $0x1  }
0xa3: {  	[sflag:s23] =	ssyncset.done $0x0  }
0xa4: {  	s25 =	simm.s32 $0x1B8E;
	s24 =	sld [smem:$0x3FFE];
	[sflag:s23] =	ssyncadd.s32 $0xFFFFFFFF  }
0xa5: {  	s26 =	simm.s32 $execute0_lowered;
	[smem:$0x3FD2] =	sst s25  }
0xa6: {  	s5 =	sshll.u32 s26, $0x1;
	_ =	strace $0x8000004C;
	[dreg:$0x1] =	wrdreg $0xFFFFFFFF  }
0xa7: {  	s28 =	simm.s32 $_size_execute0_lowered;
	s3 =	sadd.s32 s3, s5;
	[dreg:$0x0] =	wrdreg $0x0  }
0xa8: {  	s5 =	sshll.u32 s28, $0x1;
	[dreg:$0x2] =	wrdreg s3  }
0xa9: {  	[dreg:$0x3] =	wrdreg s5  }
0xaa: {  	[dreg:$0x4] =	wrdreg $0xC0  }
0xab: {  	_ =	task [dreg:s7], $0x5FFFF  }
0xac: {  	[dreg:$0x1] =	wrdreg $0xFFFFFFFF  }
0xad: {  	[dreg:$0x0] =	wrdreg $0x60  }
0xae: {  	[dreg:$0x2] =	wrdreg s24  }
0xaf: {  	[dreg:$0x3] =	wrdreg s2  }
0xb0: {  	[dreg:$0x4] =	wrdreg $0x90000  }
0xb1: {  	[dreg:$0x5] =	wrdreg $0x9  }
0xb2: {  	_ =	task.clear_ibuf [dreg:s7], $0x6FFFF;
	_ =	strace $0x9000004C  }
0xb3: {  	s29 =	simm.s32 $0x9;
	_ =	strace $0x8000004E  }
0xb4: {  	_ =	swait.ge [sflag:s29], $0x1  }
0xb5: {  	[sflag:s29] =	ssyncadd.s32 $0xFFFFFFFF  }
0xb6: {  	_ =	strace $0x9000004E  }
0xb7: {  	_ =	sfence  }
0xb8: {  	s30 =	sld [smem:$0x0];
	_ =	sdelay $0x2  }
0xb9: {  	s31 =	sshll.u32 s1, $0xD;
	s1 =	sshrl.u32 s1, $0x2  }
0xba: {  	s3 =	sand.u32 $0x4000, s31;
	s1 =	sadd.s32 s1, s30  }
0xbb: {  	s0 =	sor.u32 s3, s0;
	s1 =	sshll.u32 s1, $0x11  }
0xbc: {  	s0 =	sor.u32 s1, s0  }
0xbd: {  	s0 =	sadd.s32 $0x8F2B, s0  }
0xbe: {  	[sflag:s0] =	ssyncadd.remote.s32 $0x1  }
0xbf: {  	_ =	sfence.sel $0xFFFF  }
0xc0: {  	[dreg:$0x0] =	wrdreg $0xFFFFFFFF;
	(pc) =	sbr.abs _section_cstart, $3  }
0xc1: {  	[dreg:$0x1] =	wrdreg $0xFFFFFFFF  }
0xc2: {  	_ =	task.clear_ibuf [dreg:s7], $0x2FFFF;
	_ =	strace $0x9FFFFFFF  }
0xc3: {  	(tm) =	ssettm $0x7FFFFFFF  }
tec
execute0_lowered:
.L_overlay_start_1:
0x0: {  	(tag) =	ssettag $0x1  }
0x1: {  	s5 =	rddreg [dreg:$0x0]  }
0x2: {  	s8 =	rddreg [dreg:$0x1]  }
0x3: {  	s2 =	rddreg [dreg:$0x2];
	s3 =	srdreg.scid  }
0x4: {  	s0 =	rddreg [dreg:$0x3];
	s1 =	stileid.u32;
	s14 =	simm.s32 $0x80  }
0x5: {  	s15 =	simm.s32 $0x5000;
	s16 =	simm.s32 $0x0;
	s7 =	smul.u32 $0x14000, s1  }
0x6: {  	s6 =	sand.u32 $0x1, s3;
	s3 =	simm.s32 $0x0;
	s11 =	smul.u32 $0x50000, s1  }
0x7: {  	s31 =	sshll.u32 s1, $0x6;
	s4 =	sshll.u32 s6, $0x4;
	[smem:$0x7FF] =	sst s3  }
0x8: {  	s10 =	smul.u32 $0x140000, s6;
	s6 =	ssub.s32 $0x2, s6;
	s9 =	sor.u32 s1, s4  }
0x9: {  	_ =	strace $0x8000004D;
	s4 =	sadd.s32 $0x3C00, s5;
	s13 =	sshrl.u32 s6, $0x1  }
0xa: {  	s29 =	sshrl.u32 s11, $0x2;
	s30 =	sshrl.u32 s7, $0x3;
	s9 =	smul.u32 $0x500, s9  }
0xb: {  	s10 =	sadd.s32 s7, s10;
	s13 =	ssub.s32 s6, s13;
	s11 =	sadd.s32 s29, s2  }
0xc: {  	s6 =	sor.u32 $0x1C01, s31;
	s10 =	sshrl.u32 s10, $0x3;
	s11 =	sshrl.u32 s11, $0x3  }
0xd: {  	s12 =	sadd.s32 s9, s5;
	s10 =	sadd.s32 s10, s5;
	s5 =	sadd.s32 s4, s30  }
0xe: {  	s8 =	sadd.s32 s8, s9;
	s7 =	sadd.s32 $0x7C400, s12;
	s9 =	sadd.s32 $0x2BC00, s10  }
0xf: {  	s10 =	smax.u32 s13, $0x1;
	s12 =	simm.s32 $0x1;
	s13 =	simm.s32 $0x2800  }
.LBB2_1:
0x10: {  	[spmem:s11], [sflag:s6] =	dma.local [hbm:s5], $0x2800  }
0x11: {  	_ =	swait.ge [sflag:s12], $0x2800  }
0x12: {  	[sflag:s12] =	ssyncset.done $0x0  }
0x13: {  	[sflag:s12] =	ssyncadd.s32 $0xFFFFD800  }
0x14: {  	[tilespmem:s3], [sflag:$0x1] =	stream.linear.gather [hbm4b:s7+s3], $0x2780, $0x38;
	[tilespmem:$0x1D000] =	vst v63  }
0x15: {  	_ =	swait.ge [sflag:s12], $0x2780  }
0x16: {  	[sflag:s12] =	ssyncset.done $0x0  }
0x17: {  	[sflag:s12] =	ssyncadd.s32 $0xFFFFD880  }
0x18: {  	[tilespmem:s13], [sflag:$0x1] =	stream.linear.gather [hbm4b:s8+s3], $0x2780, $0x38;
	[tilespmem:$0x1D000] =	vst v63  }
0x19: {  	_ =	swait.ge [sflag:s12], $0x2780  }
0x1a: {  	[sflag:s12] =	ssyncset.done $0x0  }
0x1b: {  	[sflag:s12] =	ssyncadd.s32 $0xFFFFD880  }
0x1c: {  	s17 =	simm.s32 $0x0;
	[bflag:$0x0] =	sbarrier.arrive $0xFFFF  }
0x1d: {  	[tilespmem:s15], [sflag:$0x1] =	stream.indirect.gather [hbm4b:s4+s14], $0x80, s17, s14, $0xb8;
	[tilespmem:$0x1D000] =	vst v63  }
0x1e: {  	_ =	swait.ge [sflag:s12], $0x4000  }
0x1f: {  	[sflag:s12] =	ssyncset.done $0x0  }
0x20: {  	s31 =	simm.s32 $0x2800;
	[sflag:s12] =	ssyncadd.s32 $0xFFFFC000  }
0x21: {  	[spmem:s2] =	stream.indirect.scatter.add.f32 [tilespmem:s15], [sflag:$0x1], $0x80, s31, s14, $0xb8;
	[tilespmem:$0x1D000] =	vst v63  }
0x22: {  	_ =	swait.ge [sflag:s12], $0x4000  }
0x23: {  	s18 =	simm.s32 $0x400;
	s17 =	simm.s32 $0x200;
	[sflag:s12] =	ssyncset.done $0x0  }
.LBB2_2:
0x24: {  	s19 =	sshra.s32 s17, $0x2  }
0x25: {  	[sflag:s12] =	ssyncadd.s32 $0xFFFFC000;
	s17 =	smov.u32 s18;
	s20 =	sadd.s32 $0x200, s18  }
0x26: {  	[tilespmem:s15], [sflag:$0x1] =	stream.indirect.gather [hbm4b:s4+s14], $0x80, s19, s14, $0xb8;
	[tilespmem:$0x1D000] =	vst v63  }
0x27: {  	p0 =	sne.s32 s18, $0x9C00;
	_ =	swait.ge [sflag:s12], $0x4000  }
.Ltmp0:
0x28: {  	[sflag:s12] =	ssyncset.done $0x0;
	(pc) =	sbr.rel @p0 .LBB2_2-.Ltmp0, $4  }
0x29: {  	s18 =	sadd.s32 $0x2800, s19;
	[sflag:s12] =	ssyncadd.s32 $0xFFFFC000  }
0x2a: {  	[spmem:s2] =	stream.indirect.scatter.add.f32 [tilespmem:s15], [sflag:$0x1], $0x80, s18, s14, $0xb8;
	[tilespmem:$0x1D000] =	vst v63  }
0x2b: {  	_ =	swait.ge [sflag:s12], $0x4000  }
0x2c: {  	s18 =	smov.u32 s20;
	[sflag:s12] =	ssyncset.done $0x0  }
0x2d: {  	s17 =	sshra.s32 s17, $0x2;
	[sflag:s12] =	ssyncadd.s32 $0xFFFFC000  }
0x2e: {  	[tilespmem:s15], [sflag:$0x1] =	stream.indirect.gather [hbm4b:s4+s14], $0x80, s17, s14, $0xb8;
	[tilespmem:$0x1D000] =	vst v63  }
0x2f: {  	_ =	swait.ge [sflag:s12], $0x4000  }
0x30: {  	[sflag:s12] =	ssyncset.done $0x0  }
0x31: {  	s17 =	sadd.s32 $0x2800, s17;
	[sflag:s12] =	ssyncadd.s32 $0xFFFFC000  }
0x32: {  	[spmem:s2] =	stream.indirect.scatter.add.f32 [tilespmem:s15], [sflag:$0x1], $0x80, s17, s14, $0xb8;
	[tilespmem:$0x1D000] =	vst v63  }
0x33: {  	_ =	swait.ge [sflag:s12], $0x4000  }
0x34: {  	s16 =	sadd.s32 $0x1, s16;
	[sflag:s12] =	ssyncset.done $0x0  }
0x35: {  	p0 =	sne.s32 s16, s10;
	[sflag:s12] =	ssyncadd.s32 $0xFFFFC000  }
.Ltmp1:
0x36: {  	[bflag:$0x0] =	sbarrier.arrive $0xFFFF;
	(pc) =	sbr.rel @p0 .LBB2_1-.Ltmp1, $4  }
0x37: {  	[hbm:s9], [sflag:s6] =	dma.local [spmem:s11], $0x2800  }
0x38: {  	_ =	swait.ge [sflag:s12], $0x2800  }
0x39: {  	[sflag:s12] =	ssyncset.done $0x0  }
0x3a: {  	[sflag:s12] =	ssyncadd.s32 $0xFFFFD800  }
0x3b: {  	_ =	sfence.sel $0x180000  }
0x3c: {  	[bflag:$0x0] =	sbarrier.arrive $0xFFFF  }
0x3d: {  	p0 =	sne.s32 s1, $0x0;
	_ =	strace $0x9000004D  }
0x3e: {  	s0 =	sadd.s32 @!p0 $0x100000, s0;
	[bflag:$0x2] =	sbarrier.arrive $0xFFFF  }
0x3f: {  	[sflag:s0] =	ssyncadd.tile.s32 @!p0 $0x1;
	_ =	shalt  }
.Lfunc_end2:
_tile_overlayer_lowered:
.L_overlay_start_2:
0x40: {  	(tag) =	ssettag $0x2  }
0x41: {  	s0 =	rddreg [dreg:$0x0];
	s2 =	stileid.u32  }
0x42: {  	s1 =	rddreg [dreg:$0x1];
	p0 =	sne.s32 s2, $0x0  }
0x43: {  	s3 =	rddreg [dreg:$0x2];
	[bflag:$0x3] =	sbarrier.arrive $0xFFFF;
	s2 =	simm.s32 @!p0 $0x1C01  }
0x44: {  	[timem:s3], [sflag:s2] =	dma.local @!p0 [hbm:s0], s1  }
0x45: {  	s0 =	simm.s32 @!p0 $0x1  }
0x46: {  	_ =	swait.ge @!p0 [sflag:s0], s1  }
0x47: {  	s1 =	ssub.s32 @!p0 $0x0, s1;
	[sflag:s0] =	ssyncset.done @!p0 $0x0  }
0x48: {  	[sflag:s0] =	ssyncadd.s32 @!p0 s1  }
0x49: {  	[bflag:$0x3] =	sbarrier.arrive $0xFFFF  }
0x4a: {  	_ =	shalt  }

// kernel: kernel.8.cloned.1.call-start
scs
__scs_entry_jumppad:
0x0: {  	(pc) =	sbr.rel $0x88, $3  }
0x1: {  	(tag) =	ssettag $0x0;
	lr =	simm.s32 $0x1  }
0x2: {  	[smem:$0x3F8F] =	sst lr;
	_ =	strace $0xD0000000  }
0x3: {  	_ = 	snop  }
0x4: {  	_ = 	snop  }
0x5: {  	_ = 	snop  }
0x6: {  	_ = 	snop  }
0x7: {  	_ = 	snop  }
__scs_overlays_trampoline_lowered:
0x8: {  	[smem:$0x3F9E] =	sst s0  }
0x9: {  	[smem:$0x3F9F] =	sst s1  }
0xa: {  	[smem:$0x3FA0] =	sst s2  }
0xb: {  	[smem:$0x3FA1] =	sst s3  }
0xc: {  	[smem:$0x3FA2] =	sst s4  }
0xd: {  	[smem:$0x3FA3] =	sst s5  }
0xe: {  	[smem:$0x3FA4] =	sst s6  }
0xf: {  	[smem:$0x3FA5] =	sst s7  }
0x10: {  	[smem:$0x3FA6] =	sst s8  }
0x11: {  	[smem:$0x3FA7] =	sst s9;
	s0 =	simm.s32 @!p0 $0x0  }
0x12: {  	s1 =	sld [smem:$0x3F8D];
	s0 =	simm.s32 @p0 $0x1  }
0x13: {  	[smem:$0x3FA8] =	sst s0;
	s0 =	simm.s32 @!p1 $0x0  }
0x14: {  	s2 =	sld [smem:$0x3F8C];
	s0 =	simm.s32 @p1 $0x1  }
0x15: {  	[smem:$0x3FA9] =	sst s0;
	s0 =	simm.s32 @!p2 $0x0  }
0x16: {  	s3 =	sld [smem:$0x3FDB];
	s0 =	simm.s32 @p2 $0x1  }
0x17: {  	s4 =	simm.s32 $0x1BF5;
	[smem:$0x3FAB] =	sst s0  }
0x18: {  	s0 =	sld [smem:$0x3F8E];
	_ =	swait.ge [sflag:s4], $0x0  }
0x19: {  	s7 =	sld [smem:$0x3F8F]  }
0x1a: {  	s8 =	sadd.s32 $0xFFFFE003, lr  }
0x1b: {  	s9 =	sadd.s32 $0xFFFFFEF7, lr;
	s5 =	simm.s32 $0xFFFFFFFF;
	p2 =	slt.u32 s8, $0xFFFFF086  }
0x1c: {  	p1 =	slt.u32 s9, $0xF7A;
	s5 =	simm.s32 @!p2 $0x0  }
0x1d: {  	s5 =	simm.s32 @p1 $0x1;
	p0 =	seq.s32 s7, s2  }
0x1e: {  	s7 =	smul.u32 @!p0 $0xF7A, s2;
	p2 =	seq.s32 @!p0 s5, $0x0  }
0x1f: {  	s9 =	smul.u32 $0xF7A, s1;
	s8 =	simm.s32 @!p0 $0x1BF5;
	p2 =	por !p2, p0  }
0x20: {  	[sflag:s8] =	ssyncset.s32 @!p0 $0xFFFFF086;
	s6 =	sadd.s32 @!p0 s3, s7;
	s7 =	simm.s32 @!p0 $0x108  }
0x21: {  	s3 =	sadd.s32 s3, s9;
	s6 =	sadd.s32 @!p0 $0x88, s6;
	s7 =	simm.s32 @p2 $0x1082  }
0x22: {  	[simem:s7], [sflag:s8] =	dma.local @!p0 [hbm:s6], $0xF7A  }
0x23: {  	s9 =	sor.u32 $0xD0000000, s2;
	s6 =	simm.s32 $0x108;
	_ =	swait.ge @!p0 [sflag:s8], $0x0  }
0x24: {  	s3 =	sadd.s32 $0x88, s3;
	s6 =	simm.s32 @!p1 $0x1082;
	[sflag:s4] =	ssyncset.s32 $0xFFFFF086  }
0x25: {  	[simem:s6], [sflag:s4] =	dma.local [hbm:s3], $0xF7A  }
0x26: {  	[smem:$0x3F8F] =	sst s1;
	(tag) =	ssettag s2;
	_ =	strace s9  }
0x27: {  	s1 =	sld [smem:$0x3F9F]  }
0x28: {  	s2 =	sld [smem:$0x3FA0]  }
0x29: {  	s4 =	sld [smem:$0x3FA2]  }
0x2a: {  	p0 =	seq.s32 s5, $0x0;
	s5 =	sld [smem:$0x3FA3]  }
0x2b: {  	s6 =	sld [smem:$0x3FA4]  }
0x2c: {  	s7 =	sld [smem:$0x3FA5]  }
0x2d: {  	s3 =	simm.s32 $0x108;
	s8 =	sld [smem:$0x3FA6]  }
0x2e: {  	s3 =	simm.s32 @!p0 $0x1082;
	s9 =	sld [smem:$0x3FA7]  }
0x2f: {  	lr =	sadd.s32 s0, s3;
	s0 =	sld [smem:$0x3F9E]  }
0x30: {  	s3 =	sld [smem:$0x3FA1]  }
0x31: {  	[smem:$0x3FAA] =	sst s10  }
0x32: {  	s10 =	sld [smem:$0x3FA8];
	_ =	sdelay $0x3  }
0x33: {  	p0 =	seq.s32 s10, $0x1;
	s10 =	sld [smem:$0x3FAA];
	_ =	sdelay $0x3  }
0x34: {  	[smem:$0x3FAA] =	sst s10  }
0x35: {  	s10 =	sld [smem:$0x3FA9];
	_ =	sdelay $0x3  }
0x36: {  	p1 =	seq.s32 s10, $0x1;
	s10 =	sld [smem:$0x3FAA];
	_ =	sdelay $0x3  }
0x37: {  	[smem:$0x3FAA] =	sst s10  }
0x38: {  	s10 =	sld [smem:$0x3FAB]  }
0x39: {  	_ = 	snop;
	(pc) =	sbr.ind lr, $3  }
0x3a: {  	_ = 	snop  }
0x3b: {  	_ = 	snop  }
0x3c: {  	p2 =	seq.s32 s10, $0x1;
	s10 =	sld [smem:$0x3FAA]  }
0x3d: {  	_ =	shalt  }
0x3e: {  	_ =	shalt  }
0x3f: {  	_ =	shalt  }
0x40: {  	_ =	shalt  }
0x41: {  	_ =	shalt  }
0x42: {  	_ =	shalt  }
0x43: {  	_ =	shalt  }
0x44: {  	_ =	shalt  }
0x45: {  	_ =	shalt  }
0x46: {  	_ =	shalt  }
0x47: {  	_ =	shalt  }
0x48: {  	_ =	shalt  }
0x49: {  	_ =	shalt  }
0x4a: {  	_ =	shalt  }
0x4b: {  	_ =	shalt  }
0x4c: {  	_ =	shalt  }
0x4d: {  	_ =	shalt  }
0x4e: {  	_ =	shalt  }
0x4f: {  	_ =	shalt  }
0x50: {  	_ =	shalt  }
0x51: {  	_ =	shalt  }
0x52: {  	_ =	shalt  }
0x53: {  	_ =	shalt  }
0x54: {  	_ =	shalt  }
0x55: {  	_ =	shalt  }
0x56: {  	_ =	shalt  }
0x57: {  	_ =	shalt  }
0x58: {  	_ =	shalt  }
0x59: {  	_ =	shalt  }
0x5a: {  	_ =	shalt  }
0x5b: {  	_ =	shalt  }
0x5c: {  	_ =	shalt  }
0x5d: {  	_ =	shalt  }
0x5e: {  	_ =	shalt  }
0x5f: {  	_ =	shalt  }
0x60: {  	_ =	shalt  }
0x61: {  	_ =	shalt  }
0x62: {  	_ =	shalt  }
0x63: {  	_ =	shalt  }
0x64: {  	_ =	shalt  }
0x65: {  	_ =	shalt  }
0x66: {  	_ =	shalt  }
0x67: {  	_ =	shalt  }
0x68: {  	_ =	shalt  }
0x69: {  	_ =	shalt  }
0x6a: {  	_ =	shalt  }
0x6b: {  	_ =	shalt  }
0x6c: {  	_ =	shalt  }
0x6d: {  	_ =	shalt  }
0x6e: {  	_ =	shalt  }
0x6f: {  	_ =	shalt  }
0x70: {  	_ =	shalt  }
0x71: {  	_ =	shalt  }
0x72: {  	_ =	shalt  }
0x73: {  	_ =	shalt  }
0x74: {  	_ =	shalt  }
0x75: {  	_ =	shalt  }
0x76: {  	_ =	shalt  }
0x77: {  	_ =	shalt  }
0x78: {  	_ =	shalt  }
0x79: {  	_ =	shalt  }
0x7a: {  	_ =	shalt  }
0x7b: {  	_ =	shalt  }
0x7c: {  	_ =	shalt  }
0x7d: {  	_ =	shalt  }
0x7e: {  	_ =	shalt  }
0x7f: {  	_ =	shalt  }
0x80: {  	_ =	shalt  }
0x81: {  	_ =	shalt  }
0x82: {  	_ =	shalt  }
0x83: {  	_ =	shalt  }
0x84: {  	_ =	shalt  }
0x85: {  	_ =	shalt  }
0x86: {  	_ =	shalt  }
0x87: {  	_ =	shalt  }
.Lfunc_end0:
.L_simem_size_0:
called_computation_lowered:
.L_overlay_start_0:
0x88: {  	s2 =	sld [smem:$0x3FD9]  }
0x89: {  	s3 =	sld [smem:$0x3FFE];
	_ =	sdelay $0x1  }
0x8a: {  	s1 =	srdreg.scid  }
0x8b: {  	s0 =	sand.u32 $0x1, s1  }
0x8c: {  	s17 =	sshll.u32 s0, $0xA;
	s2 =	sadd.s32 s3, s2  }
0x8d: {  	s2 =	sadd.s32 s2, s17  }
0x8e: {  	[smem:$0x3FB6] =	sst s2  }
0x8f: {  	_ = 	snop  }
0x90: {  	s2 =	sld [smem:$0x3FD0];
	(tm) =	ssettm $0x1  }
0x91: {  	s18 =	sld [smem:$0x3FFB];
	_ =	sdelay $0x3  }
0x92: {  	_ =	strace s18  }
0x93: {  	s3 =	sld [smem:$0x3FFC];
	_ =	sdelay $0x3  }
0x94: {  	_ =	strace s3  }
0x95: {  	s3 =	sld [smem:$0x3FFD];
	_ =	sdelay $0x3  }
0x96: {  	_ =	strace s3  }
0x97: {  	_ =	strace $0x8FFFFFFF  }
0x98: {  	s19 =	sld [smem:$0x3FDB];
	_ =	sdelay $0x1  }
0x99: {  	s4 =	simm.s32 $_scs_section_size  }
0x9a: {  	s5 =	simm.s32 $_size__tile_overlayer_lowered;
	s6 =	simm.s32 $_tile_overlayer_lowered  }
0x9b: {  	s22 =	simm.s32 $0x1BFF;
	s21 =	sshll.u32 s6, $0x1;
	s3 =	sadd.s32 s4, s19  }
0x9c: {  	s7 =	simm.s32 $0x0;
	s20 =	sshll.u32 s5, $0x1;
	s5 =	sadd.s32 s21, s3  }
0x9d: {  	[timem:s7], [sflag:s22] =	dma.local [hbm:s5], s20  }
0x9e: {  	_ =	swait.ge [sflag:s22], s20  }
0x9f: {  	s4 =	ssub.s32 $0x0, s20;
	[sflag:s22] =	ssyncset.done $0x0  }
0xa0: {  	[sflag:s22] =	ssyncadd.s32 s4;
	_ =	sdelay $0x1  }
0xa1: {  	s23 =	simm.s32 $0x1B8B  }
0xa2: {  	_ =	swait.ge [sflag:s23], $0x1  }
0xa3: {  	[sflag:s23] =	ssyncset.done $0x0  }
0xa4: {  	s25 =	simm.s32 $0x1B8E;
	s24 =	sld [smem:$0x3FFE];
	[sflag:s23] =	ssyncadd.s32 $0xFFFFFFFF  }
0xa5: {  	s26 =	simm.s32 $execute0_lowered;
	[smem:$0x3FD2] =	sst s25  }
0xa6: {  	s5 =	sshll.u32 s26, $0x1;
	_ =	strace $0x80000046;
	[dreg:$0x1] =	wrdreg $0xFFFFFFFF  }
0xa7: {  	s28 =	simm.s32 $_size_execute0_lowered;
	s3 =	sadd.s32 s3, s5;
	[dreg:$0x0] =	wrdreg $0x0  }
0xa8: {  	s5 =	sshll.u32 s28, $0x1;
	[dreg:$0x2] =	wrdreg s3  }
0xa9: {  	[dreg:$0x3] =	wrdreg s5  }
0xaa: {  	[dreg:$0x4] =	wrdreg $0xC0  }
0xab: {  	_ =	task [dreg:s7], $0x5FFFF  }
0xac: {  	[dreg:$0x1] =	wrdreg $0xFFFFFFFF  }
0xad: {  	[dreg:$0x0] =	wrdreg $0x60  }
0xae: {  	[dreg:$0x2] =	wrdreg s2  }
0xaf: {  	[dreg:$0x3] =	wrdreg s24  }
0xb0: {  	[dreg:$0x4] =	wrdreg $0x68000  }
0xb1: {  	[dreg:$0x5] =	wrdreg $0x9  }
0xb2: {  	_ =	task.clear_ibuf [dreg:s7], $0x6FFFF;
	_ =	strace $0x90000046  }
0xb3: {  	s29 =	simm.s32 $0x9;
	_ =	strace $0x80000048  }
0xb4: {  	_ =	swait.ge [sflag:s29], $0x1  }
0xb5: {  	[sflag:s29] =	ssyncadd.s32 $0xFFFFFFFF  }
0xb6: {  	_ =	strace $0x90000048  }
0xb7: {  	_ =	sfence  }
0xb8: {  	s30 =	sld [smem:$0x0];
	_ =	sdelay $0x2  }
0xb9: {  	s31 =	sshll.u32 s1, $0xD;
	s1 =	sshrl.u32 s1, $0x2  }
0xba: {  	s3 =	sand.u32 $0x4000, s31;
	s1 =	sadd.s32 s1, s30  }
0xbb: {  	s0 =	sor.u32 s3, s0;
	s1 =	sshll.u32 s1, $0x11  }
0xbc: {  	s0 =	sor.u32 s1, s0  }
0xbd: {  	s0 =	sadd.s32 $0x8F2B, s0  }
0xbe: {  	[sflag:s0] =	ssyncadd.remote.s32 $0x1  }
0xbf: {  	_ =	sfence.sel $0xFFFF  }
0xc0: {  	[dreg:$0x0] =	wrdreg $0xFFFFFFFF;
	(pc) =	sbr.abs _section_cstart, $3  }
0xc1: {  	[dreg:$0x1] =	wrdreg $0xFFFFFFFF  }
0xc2: {  	_ =	task.clear_ibuf [dreg:s7], $0x2FFFF;
	_ =	strace $0x9FFFFFFF  }
0xc3: {  	(tm) =	ssettm $0x7FFFFFFF  }
tec
execute0_lowered:
.L_overlay_start_1:
0x0: {  	(tag) =	ssettag $0x1  }
0x1: {  	s7 =	rddreg [dreg:$0x0]  }
0x2: {  	s5 =	rddreg [dreg:$0x1];
	s0 =	stileid.u32  }
0x3: {  	s1 =	srdreg.scid;
	s2 =	rddreg [dreg:$0x2]  }
0x4: {  	s3 =	simm.s32 $0x0;
	s13 =	simm.s32 $0x80;
	s14 =	simm.s32 $0x0  }
0x5: {  	s4 =	smul.u32 $0x14000, s0;
	s6 =	sand.u32 $0x1, s1;
	s1 =	rddreg [dreg:$0x3]  }
0x6: {  	[smem:$0x7FF] =	sst s3;
	s11 =	smul.u32 $0x50000, s0;
	s31 =	sshll.u32 s0, $0x6  }
0x7: {  	s8 =	smul.u32 $0x140000, s6;
	_ =	strace $0x80000047;
	s10 =	ssub.s32 $0x2, s6  }
0x8: {  	s6 =	sshll.u32 s6, $0x4;
	s9 =	sshrl.u32 s4, $0x3;
	s28 =	sshrl.u32 s10, $0x1  }
0x9: {  	s6 =	sor.u32 s0, s6;
	s29 =	sshrl.u32 s11, $0x2;
	s11 =	simm.s32 $0x1  }
0xa: {  	s8 =	sadd.s32 s4, s8;
	s4 =	sadd.s32 $0x2BC00, s5;
	s9 =	sadd.s32 s9, s5  }
0xb: {  	s10 =	ssub.s32 s10, s28;
	s30 =	smul.u32 $0x500, s6;
	s8 =	sshrl.u32 s8, $0x3  }
0xc: {  	s12 =	sadd.s32 s29, s2;
	s6 =	sor.u32 $0x1C01, s31;
	s8 =	sadd.s32 s8, s5  }
0xd: {  	s5 =	sadd.s32 $0x3C00, s9;
	s7 =	sadd.s32 s7, s30;
	s9 =	smax.u32 s10, $0x1  }
0xe: {  	s10 =	sshrl.u32 s12, $0x3;
	s12 =	simm.s32 $0x2800;
	s8 =	sadd.s32 $0x2C400, s8  }
.LBB2_1:
0xf: {  	[spmem:s10], [sflag:s6] =	dma.local [hbm:s5], $0x2800  }
0x10: {  	_ =	swait.ge [sflag:s11], $0x2800  }
0x11: {  	[sflag:s11] =	ssyncset.done $0x0  }
0x12: {  	[sflag:s11] =	ssyncadd.s32 $0xFFFFD800  }
0x13: {  	[tilespmem:s12], [sflag:$0x1] =	stream.linear.gather [hbm4b:s4+s3], $0x4000, $0x38;
	[tilespmem:$0x1A800] =	vst v63  }
0x14: {  	_ =	swait.ge [sflag:s11], $0x4000  }
0x15: {  	[sflag:s11] =	ssyncset.done $0x0  }
0x16: {  	[sflag:s11] =	ssyncadd.s32 $0xFFFFC000  }
0x17: {  	[tilespmem:s3], [sflag:$0x1] =	stream.linear.gather [hbm4b:s7+s3], $0x2780, $0x38;
	[tilespmem:$0x1A800] =	vst v63  }
0x18: {  	_ =	swait.ge [sflag:s11], $0x2780  }
0x19: {  	[sflag:s11] =	ssyncset.done $0x0  }
0x1a: {  	[sflag:s11] =	ssyncadd.s32 $0xFFFFD880  }
0x1b: {  	s15 =	simm.s32 $0x0;
	[bflag:$0x0] =	sbarrier.arrive $0xFFFF  }
0x1c: {  	[spmem:s2] =	stream.indirect.scatter.add.f32 [tilespmem:s12], [sflag:$0x1], $0x80, s15, s13, $0xb8;
	[tilespmem:$0x1A800] =	vst v63  }
0x1d: {  	_ =	swait.ge [sflag:s11], $0x4000  }
0x1e: {  	s15 =	simm.s32 $0x200;
	[sflag:s11] =	ssyncset.done $0x0  }
.LBB2_2:
0x1f: {  	s16 =	sshra.s32 s15, $0x2;
	[sflag:s11] =	ssyncadd.s32 $0xFFFFC000;
	p0 =	sne.s32 s15, $0x9C00  }
0x20: {  	[spmem:s2] =	stream.indirect.scatter.add.f32 [tilespmem:s12], [sflag:$0x1], $0x80, s16, s13, $0xb8;
	[tilespmem:$0x1A800] =	vst v63  }
.Ltmp0:
0x21: {  	_ = 	snop;
	(pc) =	sbr.rel @p0 .LBB2_2-.Ltmp0, $4  }
0x22: {  	_ = 	snop  }
0x23: {  	s15 =	sadd.s32 $0x200, s15  }
0x24: {  	_ =	swait.ge [sflag:s11], $0x4000  }
0x25: {  	[sflag:s11] =	ssyncset.done $0x0  }
0x26: {  	s14 =	sadd.s32 $0x1, s14  }
0x27: {  	[sflag:s11] =	ssyncadd.s32 $0xFFFFC000;
	p0 =	sne.s32 s14, s9  }
.Ltmp1:
0x28: {  	[bflag:$0x0] =	sbarrier.arrive $0xFFFF;
	(pc) =	sbr.rel @p0 .LBB2_1-.Ltmp1, $4  }
0x29: {  	[hbm:s8], [sflag:s6] =	dma.local [spmem:s10], $0x2800  }
0x2a: {  	_ =	swait.ge [sflag:s11], $0x2800  }
0x2b: {  	[sflag:s11] =	ssyncset.done $0x0  }
0x2c: {  	[sflag:s11] =	ssyncadd.s32 $0xFFFFD800  }
0x2d: {  	_ =	sfence.sel $0x180000  }
0x2e: {  	[bflag:$0x0] =	sbarrier.arrive $0xFFFF  }
0x2f: {  	p0 =	sne.s32 s0, $0x0;
	_ =	strace $0x90000047  }
0x30: {  	s0 =	sadd.s32 @!p0 $0x100000, s1;
	[bflag:$0x2] =	sbarrier.arrive $0xFFFF  }
0x31: {  	[sflag:s0] =	ssyncadd.tile.s32 @!p0 $0x1;
	_ =	shalt  }
.Lfunc_end2:
_tile_overlayer_lowered:
.L_overlay_start_2:
0x32: {  	(tag) =	ssettag $0x2  }
0x33: {  	s0 =	rddreg [dreg:$0x0];
	s2 =	stileid.u32  }
0x34: {  	s1 =	rddreg [dreg:$0x1];
	p0 =	sne.s32 s2, $0x0  }
0x35: {  	s3 =	rddreg [dreg:$0x2];
	[bflag:$0x3] =	sbarrier.arrive $0xFFFF;
	s2 =	simm.s32 @!p0 $0x1C01  }
0x36: {  	[timem:s3], [sflag:s2] =	dma.local @!p0 [hbm:s0], s1  }
0x37: {  	s0 =	simm.s32 @!p0 $0x1  }
0x38: {  	_ =	swait.ge @!p0 [sflag:s0], s1  }
0x39: {  	s1 =	ssub.s32 @!p0 $0x0, s1;
	[sflag:s0] =	ssyncset.done @!p0 $0x0  }
0x3a: {  	[sflag:s0] =	ssyncadd.s32 @!p0 s1  }
0x3b: {  	[bflag:$0x3] =	sbarrier.arrive $0xFFFF  }
0x3c: {  	_ =	shalt  }

</sc_bundles>
